<compile_context>
chip_gen: v7x
topology: tpu7x:2x2x1
jax: 0.10.2.dev20260603
libtpu: 0.0.44.dev20260713+nightly
codegen_flags: <defaults>
</compile_context>

<pallas_src>
import functools

import jax
import jax.numpy as jnp
from jax import lax
from jax.experimental import pallas as pl
from jax.experimental.pallas import tpu as pltpu
from jax.experimental.pallas import tpu_sc as plsc

_D = 64
_SCALE = 8.0
_NC = 2
_NS = 16
_NW = _NC * _NS
_CHUNK = 128
_SKEW = 129


def _emb_body(nitems, nbc, x_hbm, tab2_hbm, out_hbm,
              idx_v, buf_a, buf_b, obuf_a, obuf_b,
              gsem_a, gsem_b, ssem_a, ssem_b):
    wid = lax.axis_index("s") * _NC + lax.axis_index("c")
    k0 = wid * nitems
    pltpu.sync_copy(x_hbm.at[pl.ds(k0, nitems)], idx_v)

    iota = lax.broadcasted_iota(jnp.int32, (16,), 0)
    zero16 = jnp.zeros((16,), jnp.int32)
    addr_cb = [(iota + 16 * cb) * _SKEW for cb in range(_D // 16)]

    def gather_start(n, buf, gsem):
        pltpu.make_async_copy(tab2_hbm.at[idx_v.at[n]], buf, gsem).start()

    def gather_wait(buf, gsem):
        pltpu.make_async_copy(
            tab2_hbm.at[pl.ds(0, _CHUNK)], buf, gsem).wait()

    def out_dst(n):
        k = k0 + n
        tt = k // (nbc * 8)
        bc = (k // 8) % nbc
        s = k % 8
        t = tt * 8 + s
        return out_hbm.at[t, :, bc]

    def scatter_copy(n, obuf, ssem):
        return pltpu.make_async_copy(
            obuf.at[:, :, pl.ds(0, _CHUNK)], out_dst(n), ssem)

    def transpose_scale(buf, obuf):
        @plsc.parallel_loop(0, _CHUNK, unroll=4)
        def rbody(r):
            l_vec = jnp.full((16,), r, jnp.int32)
            for cb in range(_D // 16):
                v = buf[r, pl.ds(cb * 16, 16)]
                plsc.store_scatter(
                    obuf, [zero16, zero16, addr_cb[cb] + l_vec], v * _SCALE)

    gather_start(0, buf_a, gsem_a)
    gather_wait(buf_a, gsem_a)
    gather_start(1, buf_b, gsem_b)
    transpose_scale(buf_a, obuf_a)
    scatter_copy(0, obuf_a, ssem_a).start()

    def pair(p, _):
        n1 = 1 + 2 * p
        gather_wait(buf_b, gsem_b)
        gather_start(n1 + 1, buf_a, gsem_a)
        scatter_copy(n1 - 1, obuf_a, ssem_a).wait()
        transpose_scale(buf_b, obuf_b)
        scatter_copy(n1, obuf_b, ssem_b).start()

        n2 = n1 + 1
        gather_wait(buf_a, gsem_a)
        gather_start(n2 + 1, buf_b, gsem_b)
        scatter_copy(n1, obuf_b, ssem_b).wait()
        transpose_scale(buf_a, obuf_a)
        scatter_copy(n2, obuf_a, ssem_a).start()
        return 0

    lax.fori_loop(0, (nitems - 2) // 2, pair, 0)

    nl = nitems - 1
    gather_wait(buf_b, gsem_b)
    scatter_copy(nl - 1, obuf_a, ssem_a).wait()
    transpose_scale(buf_b, obuf_b)
    scatter_copy(nl, obuf_b, ssem_b).start()
    scatter_copy(nl, obuf_b, ssem_b).wait()


def kernel(x, table):
    s0, s1 = x.shape
    nrows = table.shape[0]
    b_total = s0 * s1
    assert s0 % _CHUNK == 0 and s1 % 8 == 0 and nrows % 2 == 0
    nbc = s0 // _CHUNK
    nitems_total = b_total // _CHUNK
    nitems = nitems_total // _NW
    assert nitems >= 4 and nitems % 2 == 0
    x4 = (x.reshape(nbc, _CHUNK, s1 // 8, 8)
           .transpose(2, 0, 3, 1)
           .reshape(nitems_total, _CHUNK))
    t2 = jnp.pad(table, ((0, 0), (0, 2 * _D - table.shape[1])))

    mesh = plsc.VectorSubcoreMesh(core_axis_name="c", subcore_axis_name="s")
    run = functools.partial(
        pl.kernel,
        out_type=jax.ShapeDtypeStruct((s1, _D // 8, nbc, 8, _CHUNK),
                                      jnp.float32),
        mesh=mesh,
        scratch_types=[
            pltpu.VMEM((nitems, _CHUNK), jnp.int32),
            pltpu.VMEM((_CHUNK, 2 * _D), jnp.float32),
            pltpu.VMEM((_CHUNK, 2 * _D), jnp.float32),
            pltpu.VMEM((_D // 8, 8, _SKEW), jnp.float32),
            pltpu.VMEM((_D // 8, 8, _SKEW), jnp.float32),
            pltpu.SemaphoreType.DMA,
            pltpu.SemaphoreType.DMA,
            pltpu.SemaphoreType.DMA,
            pltpu.SemaphoreType.DMA,
        ],
        compiler_params=pltpu.CompilerParams(use_tc_tiling_on_sc=False,
                                             needs_layout_passes=False),
    )(functools.partial(_emb_body, nitems, nbc))
    out5 = run(x4, t2)
    out = out5.transpose(2, 4, 0, 1, 3).reshape(s0, s1, _D)
    return out

# --- scband reference (transcript-rebuilt; emitter-appended) ---
"""Pipeline reference for scband-embedding-50268297232470 (READ-ONLY COPY).

The authoritative reference and input builder live on the scoring server;
editing this copy changes nothing except your own understanding.
"""

import jax, jax.numpy as jnp
import numpy as np

VOCAB = 1000000
D_MODEL = 64
PADDING_IDX = 0
DO_SCALE = True


def setup_inputs(seed: int = 0) -> dict:
    key = jax.random.key(seed)
    k_idx, k_tab = jax.random.split(key)
    x = jax.random.randint(k_idx, (4096, 200), 0, VOCAB, dtype=jnp.int64 if jax.config.jax_enable_x64 else jnp.int32).astype(jnp.int32)
    table = jax.random.normal(k_tab, (VOCAB, D_MODEL), dtype=jnp.float32)
    # nn.Embedding zeroes the padding_idx row
    table = table.at[PADDING_IDX].set(0.0)
    return {"x": x, "table": table}


def reference(x, table):
    # Embedding lookup (padding_idx row is zero in the table)
    emb = jnp.take(table, x, axis=0)
    if DO_SCALE:
        emb = emb * (D_MODEL ** 0.5)
    return emb

if __name__ == "__main__":
    import jax
    _d = setup_inputs()
    print(jax.jit(kernel)(*tuple(_d.values())))

</pallas_src>

<mosaic_0001>
#map = affine_map<(d0, d1) -> (0, 0)>
#map1 = affine_map<(d0, d1) -> (0, 0, 0, 0, 0)>
module attributes {stable_mosaic.version = 14 : i64} {
  func.func @_emb_body(%arg0: i32, %arg1: i32, %arg2: memref<6400x128xi32, #tpu.memory_space<hbm>>, %arg3: memref<1000000x128xf32, #tpu.memory_space<hbm>>, %arg4: memref<200x8x32x8x128xf32, #tpu.memory_space<hbm>>, %arg5: memref<200x128xi32, #tpu.memory_space<vmem>>, %arg6: memref<128x128xf32, #tpu.memory_space<vmem>>, %arg7: memref<128x128xf32, #tpu.memory_space<vmem>>, %arg8: memref<8x8x129xf32, #tpu.memory_space<vmem>>, %arg9: memref<8x8x129xf32, #tpu.memory_space<vmem>>, %arg10: memref<!tpu.dma_semaphore, #tpu.memory_space<semaphore_mem>>, %arg11: memref<!tpu.dma_semaphore, #tpu.memory_space<semaphore_mem>>, %arg12: memref<!tpu.dma_semaphore, #tpu.memory_space<semaphore_mem>>, %arg13: memref<!tpu.dma_semaphore, #tpu.memory_space<semaphore_mem>>) attributes {dimension_semantics = [#tpu.dimension_semantics<core_parallel>, #tpu.dimension_semantics<subcore_parallel>], iteration_bounds = array<i64: 2, 16>, scalar_prefetch = 0 : i64, scratch_operands = 9 : i64, tpu.core_type = #tpu.core_type<sc_vector_subcore>, window_params = [{transform_indices = #map}, {transform_indices = #map}, {transform_indices = #map1}]} {
    %mul3A = arith.constant 2 : i32
    %mul3A_0 = arith.muli %arg1, %mul3A : i32
    %add3A = arith.addi %mul3A_0, %arg0 : i32
    %mul3A_1 = arith.constant 200 : i32
    %mul3A_2 = arith.muli %add3A, %mul3A_1 : i32
    "tpu.region"() ({
      %run_scoped3A = tpu.sem_alloc : memref<!tpu.dma_semaphore, #tpu.memory_space<semaphore_mem>>
      %dma_start3A_465 = arith.constant 0 : i32
      %dma_start3A_466 = tpu.memref_slice %arg2[%mul3A_2, %dma_start3A_465] : memref<6400x128xi32, #tpu.memory_space<hbm>> -> memref<200x128xi32, #tpu.memory_space<hbm>>
      %dma_start3A_467 = arith.constant 0 : i32
      %dma_start3A_468 = tpu.memref_slice %arg2[%mul3A_2, %dma_start3A_467] : memref<6400x128xi32, #tpu.memory_space<hbm>> -> memref<200x128xi32, #tpu.memory_space<hbm>>
      tpu.enqueue_dma source(%dma_start3A_468 : memref<200x128xi32, #tpu.memory_space<hbm>>) target(%arg5 : memref<200x128xi32, #tpu.memory_space<vmem>>) target_semaphore(%run_scoped3A : memref<!tpu.dma_semaphore, #tpu.memory_space<semaphore_mem>>)
      %dma_wait3A_469 = arith.constant 0 : i32
      %dma_wait3A_470 = tpu.memref_slice %arg2[%mul3A_2, %dma_wait3A_469] : memref<6400x128xi32, #tpu.memory_space<hbm>> -> memref<200x128xi32, #tpu.memory_space<hbm>>
      %dma_wait3A_471 = arith.constant 0 : i32
      %dma_wait3A_472 = tpu.memref_slice %arg2[%mul3A_2, %dma_wait3A_471] : memref<6400x128xi32, #tpu.memory_space<hbm>> -> memref<200x128xi32, #tpu.memory_space<hbm>>
      tpu.wait_dma2 semaphore(%run_scoped3A : memref<!tpu.dma_semaphore, #tpu.memory_space<semaphore_mem>>) src(%dma_wait3A_472 : memref<200x128xi32, #tpu.memory_space<hbm>>) dst(%arg5 : memref<200x128xi32, #tpu.memory_space<vmem>>)
      tpu.yield
    }) : () -> ()
    %iota3A = tpu.iota {dimensions = array<i32: 0>} : vector<16xi32>
    %broadcast_in_dim3A = arith.constant 0 : i32
    %broadcast_in_dim3A_3 = vector.broadcast %broadcast_in_dim3A : i32 to vector<16xi32>
    %add3A_4 = arith.constant 0 : i32
    %add3A_5 = vector.broadcast %add3A_4 : i32 to vector<16xi32>
    %add3A_6 = arith.addi %iota3A, %add3A_5 : vector<16xi32>
    %mul3A_7 = arith.constant 129 : i32
    %mul3A_8 = vector.broadcast %mul3A_7 : i32 to vector<16xi32>
    %mul3A_9 = arith.muli %add3A_6, %mul3A_8 : vector<16xi32>
    %add3A_10 = arith.constant 16 : i32
    %add3A_11 = vector.broadcast %add3A_10 : i32 to vector<16xi32>
    %add3A_12 = arith.addi %iota3A, %add3A_11 : vector<16xi32>
    %mul3A_13 = arith.constant 129 : i32
    %mul3A_14 = vector.broadcast %mul3A_13 : i32 to vector<16xi32>
    %mul3A_15 = arith.muli %add3A_12, %mul3A_14 : vector<16xi32>
    %add3A_16 = arith.constant 32 : i32
    %add3A_17 = vector.broadcast %add3A_16 : i32 to vector<16xi32>
    %add3A_18 = arith.addi %iota3A, %add3A_17 : vector<16xi32>
    %mul3A_19 = arith.constant 129 : i32
    %mul3A_20 = vector.broadcast %mul3A_19 : i32 to vector<16xi32>
    %mul3A_21 = arith.muli %add3A_18, %mul3A_20 : vector<16xi32>
    %add3A_22 = arith.constant 48 : i32
    %add3A_23 = vector.broadcast %add3A_22 : i32 to vector<16xi32>
    %add3A_24 = arith.addi %iota3A, %add3A_23 : vector<16xi32>
    %mul3A_25 = arith.constant 129 : i32
    %mul3A_26 = vector.broadcast %mul3A_25 : i32 to vector<16xi32>
    %mul3A_27 = arith.muli %add3A_24, %mul3A_26 : vector<16xi32>
    %dma_start3A = arith.constant 0 : i32
    %dma_start3A_28 = arith.constant 0 : i32
    %dma_start3A_29 = tpu.memref_slice %arg5[%dma_start3A, %dma_start3A_28] : memref<200x128xi32, #tpu.memory_space<vmem>> -> memref<1x128xi32, #tpu.memory_space<vmem>>
    %dma_start3A_30 = tpu.memref_squeeze %dma_start3A_29 : memref<1x128xi32, #tpu.memory_space<vmem>> -> memref<128xi32, #tpu.memory_space<vmem>>
    %dma_start3A_31 = arith.constant 0 : i32
    %dma_start3A_32 = arith.constant 0 : i32
    %dma_start3A_33 = tpu.memref_slice %arg3[%dma_start3A_31, %dma_start3A_32] : memref<1000000x128xf32, #tpu.memory_space<hbm>> -> memref<1000000x128xf32, #tpu.memory_space<hbm>>
    tpu.enqueue_indirect_dma source(%dma_start3A_33 : memref<1000000x128xf32, #tpu.memory_space<hbm>>) target(%arg6 : memref<128x128xf32, #tpu.memory_space<vmem>>) offsets(%dma_start3A_30 : memref<128xi32, #tpu.memory_space<vmem>>) semaphore(%arg10 : memref<!tpu.dma_semaphore, #tpu.memory_space<semaphore_mem>>)
    %dma_wait3A = arith.constant 0 : i32
    %dma_wait3A_34 = arith.constant 0 : i32
    %dma_wait3A_35 = tpu.memref_slice %arg3[%dma_wait3A, %dma_wait3A_34] : memref<1000000x128xf32, #tpu.memory_space<hbm>> -> memref<128x128xf32, #tpu.memory_space<hbm>>
    %dma_wait3A_36 = arith.constant 0 : i32
    %dma_wait3A_37 = arith.constant 0 : i32
    %dma_wait3A_38 = tpu.memref_slice %arg3[%dma_wait3A_36, %dma_wait3A_37] : memref<1000000x128xf32, #tpu.memory_space<hbm>> -> memref<128x128xf32, #tpu.memory_space<hbm>>
    tpu.wait_dma2 semaphore(%arg10 : memref<!tpu.dma_semaphore, #tpu.memory_space<semaphore_mem>>) src(%dma_wait3A_38 : memref<128x128xf32, #tpu.memory_space<hbm>>) dst(%arg6 : memref<128x128xf32, #tpu.memory_space<vmem>>)
    %dma_start3A_39 = arith.constant 1 : i32
    %dma_start3A_40 = arith.constant 0 : i32
    %dma_start3A_41 = tpu.memref_slice %arg5[%dma_start3A_39, %dma_start3A_40] : memref<200x128xi32, #tpu.memory_space<vmem>> -> memref<1x128xi32, #tpu.memory_space<vmem>>
    %dma_start3A_42 = tpu.memref_squeeze %dma_start3A_41 : memref<1x128xi32, #tpu.memory_space<vmem>> -> memref<128xi32, #tpu.memory_space<vmem>>
    %dma_start3A_43 = arith.constant 0 : i32
    %dma_start3A_44 = arith.constant 0 : i32
    %dma_start3A_45 = tpu.memref_slice %arg3[%dma_start3A_43, %dma_start3A_44] : memref<1000000x128xf32, #tpu.memory_space<hbm>> -> memref<1000000x128xf32, #tpu.memory_space<hbm>>
    tpu.enqueue_indirect_dma source(%dma_start3A_45 : memref<1000000x128xf32, #tpu.memory_space<hbm>>) target(%arg7 : memref<128x128xf32, #tpu.memory_space<vmem>>) offsets(%dma_start3A_42 : memref<128xi32, #tpu.memory_space<vmem>>) semaphore(%arg11 : memref<!tpu.dma_semaphore, #tpu.memory_space<semaphore_mem>>)
    %parallel_loop3A = arith.constant 0 : i32
    %parallel_loop3A_46 = arith.constant 128 : i32
    %parallel_loop3A_47 = arith.constant 1 : i32
    scf.for %parallel_loop3A_465 = %parallel_loop3A to %parallel_loop3A_46 step %parallel_loop3A_47  : i32 {
      %parallel_loop3A_466 = vector.broadcast %parallel_loop3A_465 : i32 to vector<16xi32>
      %parallel_loop3A_467 = arith.index_cast %parallel_loop3A_465 : i32 to index
      %parallel_loop3A_468 = arith.constant 0 : index
      %parallel_loop3A_469 = tpu.vector_load %arg6[%parallel_loop3A_467, %parallel_loop3A_468] {strides = array<i32>} : memref<128x128xf32, #tpu.memory_space<vmem>>, vector<16xf32>,
      %parallel_loop3A_470 = arith.addi %mul3A_9, %parallel_loop3A_466 : vector<16xi32>
      %parallel_loop3A_471 = arith.constant 8.000000e+00 : f32
      %parallel_loop3A_472 = vector.broadcast %parallel_loop3A_471 : f32 to vector<16xf32>
      %parallel_loop3A_473 = arith.mulf %parallel_loop3A_469, %parallel_loop3A_472 : vector<16xf32>
      tpu.vector_store_idx %arg8[%broadcast_in_dim3A_3, %broadcast_in_dim3A_3, %parallel_loop3A_470], %parallel_loop3A_473 : memref<8x8x129xf32, #tpu.memory_space<vmem>>[vector<16xi32>, vector<16xi32>, vector<16xi32>], vector<16xf32>,
      %parallel_loop3A_474 = arith.index_cast %parallel_loop3A_465 : i32 to index
      %parallel_loop3A_475 = arith.constant 16 : index
      %parallel_loop3A_476 = tpu.vector_load %arg6[%parallel_loop3A_474, %parallel_loop3A_475] {strides = array<i32>} : memref<128x128xf32, #tpu.memory_space<vmem>>, vector<16xf32>,
      %parallel_loop3A_477 = arith.addi %mul3A_15, %parallel_loop3A_466 : vector<16xi32>
      %parallel_loop3A_478 = arith.constant 8.000000e+00 : f32
      %parallel_loop3A_479 = vector.broadcast %parallel_loop3A_478 : f32 to vector<16xf32>
      %parallel_loop3A_480 = arith.mulf %parallel_loop3A_476, %parallel_loop3A_479 : vector<16xf32>
      tpu.vector_store_idx %arg8[%broadcast_in_dim3A_3, %broadcast_in_dim3A_3, %parallel_loop3A_477], %parallel_loop3A_480 : memref<8x8x129xf32, #tpu.memory_space<vmem>>[vector<16xi32>, vector<16xi32>, vector<16xi32>], vector<16xf32>,
      %parallel_loop3A_481 = arith.index_cast %parallel_loop3A_465 : i32 to index
      %parallel_loop3A_482 = arith.constant 32 : index
      %parallel_loop3A_483 = tpu.vector_load %arg6[%parallel_loop3A_481, %parallel_loop3A_482] {strides = array<i32>} : memref<128x128xf32, #tpu.memory_space<vmem>>, vector<16xf32>,
      %parallel_loop3A_484 = arith.addi %mul3A_21, %parallel_loop3A_466 : vector<16xi32>
      %parallel_loop3A_485 = arith.constant 8.000000e+00 : f32
      %parallel_loop3A_486 = vector.broadcast %parallel_loop3A_485 : f32 to vector<16xf32>
      %parallel_loop3A_487 = arith.mulf %parallel_loop3A_483, %parallel_loop3A_486 : vector<16xf32>
      tpu.vector_store_idx %arg8[%broadcast_in_dim3A_3, %broadcast_in_dim3A_3, %parallel_loop3A_484], %parallel_loop3A_487 : memref<8x8x129xf32, #tpu.memory_space<vmem>>[vector<16xi32>, vector<16xi32>, vector<16xi32>], vector<16xf32>,
      %parallel_loop3A_488 = arith.index_cast %parallel_loop3A_465 : i32 to index
      %parallel_loop3A_489 = arith.constant 48 : index
      %parallel_loop3A_490 = tpu.vector_load %arg6[%parallel_loop3A_488, %parallel_loop3A_489] {strides = array<i32>} : memref<128x128xf32, #tpu.memory_space<vmem>>, vector<16xf32>,
      %parallel_loop3A_491 = arith.addi %mul3A_27, %parallel_loop3A_466 : vector<16xi32>
      %parallel_loop3A_492 = arith.constant 8.000000e+00 : f32
      %parallel_loop3A_493 = vector.broadcast %parallel_loop3A_492 : f32 to vector<16xf32>
      %parallel_loop3A_494 = arith.mulf %parallel_loop3A_490, %parallel_loop3A_493 : vector<16xf32>
      tpu.vector_store_idx %arg8[%broadcast_in_dim3A_3, %broadcast_in_dim3A_3, %parallel_loop3A_491], %parallel_loop3A_494 : memref<8x8x129xf32, #tpu.memory_space<vmem>>[vector<16xi32>, vector<16xi32>, vector<16xi32>], vector<16xf32>,
    } {sc.loop_unroll_factor = 4 : i64, sc.parallel_access}
    %add3A_48 = arith.constant 0 : i32
    %add3A_49 = arith.addi %mul3A_2, %add3A_48 : i32
    %jit3A = arith.constant 256 : i32
    %div3A = arith.divsi %add3A_49, %jit3A : i32
    %sign3A = arith.constant 0 : i32
    %sign3A_50 = arith.cmpi sgt, %add3A_49, %sign3A : i32
    %sign3A_51 = arith.extui %sign3A_50 : i1 to i32
    %sign3A_52 = arith.constant 0 : i32
    %sign3A_53 = arith.cmpi slt, %add3A_49, %sign3A_52 : i32
    %sign3A_54 = arith.extui %sign3A_53 : i1 to i32
    %sign3A_55 = arith.subi %sign3A_51, %sign3A_54 : i32
    %sign3A_56 = arith.constant 0 : i32
    %sign3A_57 = arith.cmpi sgt, %jit3A, %sign3A_56 : i32
    %sign3A_58 = arith.extui %sign3A_57 : i1 to i32
    %sign3A_59 = arith.constant 0 : i32
    %sign3A_60 = arith.cmpi slt, %jit3A, %sign3A_59 : i32
    %sign3A_61 = arith.extui %sign3A_60 : i1 to i32
    %sign3A_62 = arith.subi %sign3A_58, %sign3A_61 : i32
    %ne3A = arith.cmpi ne, %sign3A_55, %sign3A_62 : i32
    %rem3A = arith.remsi %add3A_49, %jit3A : i32
    %ne3A_63 = arith.constant 0 : i32
    %ne3A_64 = arith.cmpi ne, %rem3A, %ne3A_63 : i32
    %and3A = arith.andi %ne3A, %ne3A_64 : i1
    %sub3A = arith.constant 1 : i32
    %sub3A_65 = arith.subi %div3A, %sub3A : i32
    %select_n3A = arith.select %and3A, %sub3A_65, %div3A : i32
    %jit3A_66 = arith.constant 8 : i32
    %div3A_67 = arith.divsi %add3A_49, %jit3A_66 : i32
    %sign3A_68 = arith.constant 0 : i32
    %sign3A_69 = arith.cmpi sgt, %add3A_49, %sign3A_68 : i32
    %sign3A_70 = arith.extui %sign3A_69 : i1 to i32
    %sign3A_71 = arith.constant 0 : i32
    %sign3A_72 = arith.cmpi slt, %add3A_49, %sign3A_71 : i32
    %sign3A_73 = arith.extui %sign3A_72 : i1 to i32
    %sign3A_74 = arith.subi %sign3A_70, %sign3A_73 : i32
    %sign3A_75 = arith.constant 0 : i32
    %sign3A_76 = arith.cmpi sgt, %jit3A_66, %sign3A_75 : i32
    %sign3A_77 = arith.extui %sign3A_76 : i1 to i32
    %sign3A_78 = arith.constant 0 : i32
    %sign3A_79 = arith.cmpi slt, %jit3A_66, %sign3A_78 : i32
    %sign3A_80 = arith.extui %sign3A_79 : i1 to i32
    %sign3A_81 = arith.subi %sign3A_77, %sign3A_80 : i32
    %ne3A_82 = arith.cmpi ne, %sign3A_74, %sign3A_81 : i32
    %rem3A_83 = arith.remsi %add3A_49, %jit3A_66 : i32
    %ne3A_84 = arith.constant 0 : i32
    %ne3A_85 = arith.cmpi ne, %rem3A_83, %ne3A_84 : i32
    %and3A_86 = arith.andi %ne3A_82, %ne3A_85 : i1
    %sub3A_87 = arith.constant 1 : i32
    %sub3A_88 = arith.subi %div3A_67, %sub3A_87 : i32
    %select_n3A_89 = arith.select %and3A_86, %sub3A_88, %div3A_67 : i32
    %jit3A_90 = arith.constant 32 : i32
    %eq3A = arith.constant 0 : i32
    %eq3A_91 = arith.cmpi eq, %jit3A_90, %eq3A : i32
    %jit3A_92 = arith.constant 1 : i32
    %select_n3A_93 = arith.select %eq3A_91, %jit3A_92, %jit3A_90 : i32
    %rem3A_94 = arith.remsi %select_n3A_89, %select_n3A_93 : i32
    %ne3A_95 = arith.constant 0 : i32
    %ne3A_96 = arith.cmpi ne, %rem3A_94, %ne3A_95 : i32
    %lt3A = arith.constant 0 : i32
    %lt3A_97 = arith.cmpi slt, %rem3A_94, %lt3A : i32
    %lt3A_98 = arith.constant 0 : i32
    %lt3A_99 = arith.cmpi slt, %select_n3A_93, %lt3A_98 : i32
    %ne3A_100 = arith.xori %lt3A_97, %lt3A_99 : i1
    %and3A_101 = arith.andi %ne3A_100, %ne3A_96 : i1
    %add3A_102 = arith.addi %rem3A_94, %select_n3A_93 : i32
    %select_n3A_103 = arith.select %and3A_101, %add3A_102, %rem3A_94 : i32
    %jit3A_104 = arith.constant 8 : i32
    %eq3A_105 = arith.constant 0 : i32
    %eq3A_106 = arith.cmpi eq, %jit3A_104, %eq3A_105 : i32
    %jit3A_107 = arith.constant 1 : i32
    %select_n3A_108 = arith.select %eq3A_106, %jit3A_107, %jit3A_104 : i32
    %rem3A_109 = arith.remsi %add3A_49, %select_n3A_108 : i32
    %ne3A_110 = arith.constant 0 : i32
    %ne3A_111 = arith.cmpi ne, %rem3A_109, %ne3A_110 : i32
    %lt3A_112 = arith.constant 0 : i32
    %lt3A_113 = arith.cmpi slt, %rem3A_109, %lt3A_112 : i32
    %lt3A_114 = arith.constant 0 : i32
    %lt3A_115 = arith.cmpi slt, %select_n3A_108, %lt3A_114 : i32
    %ne3A_116 = arith.xori %lt3A_113, %lt3A_115 : i1
    %and3A_117 = arith.andi %ne3A_116, %ne3A_111 : i1
    %add3A_118 = arith.addi %rem3A_109, %select_n3A_108 : i32
    %select_n3A_119 = arith.select %and3A_117, %add3A_118, %rem3A_109 : i32
    %mul3A_120 = arith.constant 8 : i32
    %mul3A_121 = arith.muli %select_n3A, %mul3A_120 : i32
    %add3A_122 = arith.addi %mul3A_121, %select_n3A_119 : i32
    %dma_start3A_123 = arith.constant 0 : i32
    %dma_start3A_124 = arith.constant 0 : i32
    %dma_start3A_125 = arith.constant 0 : i32
    %dma_start3A_126 = tpu.memref_slice %arg8[%dma_start3A_123, %dma_start3A_124, %dma_start3A_125] : memref<8x8x129xf32, #tpu.memory_space<vmem>> -> memref<8x8x128xf32, #tpu.memory_space<vmem>>
    %dma_start3A_127 = arith.constant 0 : i32
    %dma_start3A_128 = arith.constant 0 : i32
    %dma_start3A_129 = arith.constant 0 : i32
    %dma_start3A_130 = tpu.memref_slice %arg4[%add3A_122, %dma_start3A_127, %select_n3A_103, %dma_start3A_128, %dma_start3A_129] : memref<200x8x32x8x128xf32, #tpu.memory_space<hbm>> -> memref<1x8x1x8x128xf32, #tpu.memory_space<hbm>>
    %dma_start3A_131 = tpu.memref_squeeze %dma_start3A_130 : memref<1x8x1x8x128xf32, #tpu.memory_space<hbm>> -> memref<8x8x128xf32, #tpu.memory_space<hbm>>
    %dma_start3A_132 = arith.constant 0 : i32
    %dma_start3A_133 = arith.constant 0 : i32
    %dma_start3A_134 = arith.constant 0 : i32
    %dma_start3A_135 = tpu.memref_slice %arg4[%add3A_122, %dma_start3A_132, %select_n3A_103, %dma_start3A_133, %dma_start3A_134] : memref<200x8x32x8x128xf32, #tpu.memory_space<hbm>> -> memref<1x8x1x8x128xf32, #tpu.memory_space<hbm>>
    %dma_start3A_136 = tpu.memref_squeeze %dma_start3A_135 : memref<1x8x1x8x128xf32, #tpu.memory_space<hbm>> -> memref<8x8x128xf32, #tpu.memory_space<hbm>>
    %dma_start3A_137 = arith.constant 0 : i32
    %dma_start3A_138 = arith.constant 0 : i32
    %dma_start3A_139 = arith.constant 0 : i32
    %dma_start3A_140 = tpu.memref_slice %arg8[%dma_start3A_137, %dma_start3A_138, %dma_start3A_139] : memref<8x8x129xf32, #tpu.memory_space<vmem>> -> memref<8x8x128xf32, #tpu.memory_space<vmem>>
    tpu.enqueue_dma source(%dma_start3A_140 : memref<8x8x128xf32, #tpu.memory_space<vmem>>) target(%dma_start3A_136 : memref<8x8x128xf32, #tpu.memory_space<hbm>>) target_semaphore(%arg12 : memref<!tpu.dma_semaphore, #tpu.memory_space<semaphore_mem>>)
    %scan3A = arith.constant 0 : i32
    %scan3A_141 = arith.constant 0 : i32
    %scan3A_142 = arith.constant 99 : i32
    %scan3A_143 = arith.addi %scan3A_141, %scan3A_142 : i32
    %scan3A_144 = arith.constant 1 : i32
    %scan3A_145 = scf.for %scan3A_465 = %scan3A_141 to %scan3A_143 step %scan3A_144 iter_args(%scan3A_466 = %scan3A) -> (i32)  : i32 {
      %mul3A_467 = arith.constant 2 : i32
      %mul3A_468 = arith.muli %mul3A_467, %scan3A_465 : i32
      %add3A_469 = arith.constant 1 : i32
      %add3A_470 = arith.addi %add3A_469, %mul3A_468 : i32
      %dma_wait3A_471 = arith.constant 0 : i32
      %dma_wait3A_472 = arith.constant 0 : i32
      %dma_wait3A_473 = tpu.memref_slice %arg3[%dma_wait3A_471, %dma_wait3A_472] : memref<1000000x128xf32, #tpu.memory_space<hbm>> -> memref<128x128xf32, #tpu.memory_space<hbm>>
      %dma_wait3A_474 = arith.constant 0 : i32
      %dma_wait3A_475 = arith.constant 0 : i32
      %dma_wait3A_476 = tpu.memref_slice %arg3[%dma_wait3A_474, %dma_wait3A_475] : memref<1000000x128xf32, #tpu.memory_space<hbm>> -> memref<128x128xf32, #tpu.memory_space<hbm>>
      tpu.wait_dma2 semaphore(%arg11 : memref<!tpu.dma_semaphore, #tpu.memory_space<semaphore_mem>>) src(%dma_wait3A_476 : memref<128x128xf32, #tpu.memory_space<hbm>>) dst(%arg7 : memref<128x128xf32, #tpu.memory_space<vmem>>)
      %add3A_477 = arith.constant 1 : i32
      %add3A_478 = arith.addi %add3A_470, %add3A_477 : i32
      %dma_start3A_479 = arith.constant 0 : i32
      %dma_start3A_480 = tpu.memref_slice %arg5[%add3A_478, %dma_start3A_479] : memref<200x128xi32, #tpu.memory_space<vmem>> -> memref<1x128xi32, #tpu.memory_space<vmem>>
      %dma_start3A_481 = tpu.memref_squeeze %dma_start3A_480 : memref<1x128xi32, #tpu.memory_space<vmem>> -> memref<128xi32, #tpu.memory_space<vmem>>
      %dma_start3A_482 = arith.constant 0 : i32
      %dma_start3A_483 = arith.constant 0 : i32
      %dma_start3A_484 = tpu.memref_slice %arg3[%dma_start3A_482, %dma_start3A_483] : memref<1000000x128xf32, #tpu.memory_space<hbm>> -> memref<1000000x128xf32, #tpu.memory_space<hbm>>
      tpu.enqueue_indirect_dma source(%dma_start3A_484 : memref<1000000x128xf32, #tpu.memory_space<hbm>>) target(%arg6 : memref<128x128xf32, #tpu.memory_space<vmem>>) offsets(%dma_start3A_481 : memref<128xi32, #tpu.memory_space<vmem>>) semaphore(%arg10 : memref<!tpu.dma_semaphore, #tpu.memory_space<semaphore_mem>>)
      %sub3A_485 = arith.constant 1 : i32
      %sub3A_486 = arith.subi %add3A_470, %sub3A_485 : i32
      %add3A_487 = arith.addi %mul3A_2, %sub3A_486 : i32
      %jit3A_488 = arith.constant 256 : i32
      %div3A_489 = arith.divsi %add3A_487, %jit3A_488 : i32
      %sign3A_490 = arith.constant 0 : i32
      %sign3A_491 = arith.cmpi sgt, %add3A_487, %sign3A_490 : i32
      %sign3A_492 = arith.extui %sign3A_491 : i1 to i32
      %sign3A_493 = arith.constant 0 : i32
      %sign3A_494 = arith.cmpi slt, %add3A_487, %sign3A_493 : i32
      %sign3A_495 = arith.extui %sign3A_494 : i1 to i32
      %sign3A_496 = arith.subi %sign3A_492, %sign3A_495 : i32
      %sign3A_497 = arith.constant 0 : i32
      %sign3A_498 = arith.cmpi sgt, %jit3A_488, %sign3A_497 : i32
      %sign3A_499 = arith.extui %sign3A_498 : i1 to i32
      %sign3A_500 = arith.constant 0 : i32
      %sign3A_501 = arith.cmpi slt, %jit3A_488, %sign3A_500 : i32
      %sign3A_502 = arith.extui %sign3A_501 : i1 to i32
      %sign3A_503 = arith.subi %sign3A_499, %sign3A_502 : i32
      %ne3A_504 = arith.cmpi ne, %sign3A_496, %sign3A_503 : i32
      %rem3A_505 = arith.remsi %add3A_487, %jit3A_488 : i32
      %ne3A_506 = arith.constant 0 : i32
      %ne3A_507 = arith.cmpi ne, %rem3A_505, %ne3A_506 : i32
      %and3A_508 = arith.andi %ne3A_504, %ne3A_507 : i1
      %sub3A_509 = arith.constant 1 : i32
      %sub3A_510 = arith.subi %div3A_489, %sub3A_509 : i32
      %select_n3A_511 = arith.select %and3A_508, %sub3A_510, %div3A_489 : i32
      %jit3A_512 = arith.constant 8 : i32
      %div3A_513 = arith.divsi %add3A_487, %jit3A_512 : i32
      %sign3A_514 = arith.constant 0 : i32
      %sign3A_515 = arith.cmpi sgt, %add3A_487, %sign3A_514 : i32
      %sign3A_516 = arith.extui %sign3A_515 : i1 to i32
      %sign3A_517 = arith.constant 0 : i32
      %sign3A_518 = arith.cmpi slt, %add3A_487, %sign3A_517 : i32
      %sign3A_519 = arith.extui %sign3A_518 : i1 to i32
      %sign3A_520 = arith.subi %sign3A_516, %sign3A_519 : i32
      %sign3A_521 = arith.constant 0 : i32
      %sign3A_522 = arith.cmpi sgt, %jit3A_512, %sign3A_521 : i32
      %sign3A_523 = arith.extui %sign3A_522 : i1 to i32
      %sign3A_524 = arith.constant 0 : i32
      %sign3A_525 = arith.cmpi slt, %jit3A_512, %sign3A_524 : i32
      %sign3A_526 = arith.extui %sign3A_525 : i1 to i32
      %sign3A_527 = arith.subi %sign3A_523, %sign3A_526 : i32
      %ne3A_528 = arith.cmpi ne, %sign3A_520, %sign3A_527 : i32
      %rem3A_529 = arith.remsi %add3A_487, %jit3A_512 : i32
      %ne3A_530 = arith.constant 0 : i32
      %ne3A_531 = arith.cmpi ne, %rem3A_529, %ne3A_530 : i32
      %and3A_532 = arith.andi %ne3A_528, %ne3A_531 : i1
      %sub3A_533 = arith.constant 1 : i32
      %sub3A_534 = arith.subi %div3A_513, %sub3A_533 : i32
      %select_n3A_535 = arith.select %and3A_532, %sub3A_534, %div3A_513 : i32
      %jit3A_536 = arith.constant 32 : i32
      %eq3A_537 = arith.constant 0 : i32
      %eq3A_538 = arith.cmpi eq, %jit3A_536, %eq3A_537 : i32
      %jit3A_539 = arith.constant 1 : i32
      %select_n3A_540 = arith.select %eq3A_538, %jit3A_539, %jit3A_536 : i32
      %rem3A_541 = arith.remsi %select_n3A_535, %select_n3A_540 : i32
      %ne3A_542 = arith.constant 0 : i32
      %ne3A_543 = arith.cmpi ne, %rem3A_541, %ne3A_542 : i32
      %lt3A_544 = arith.constant 0 : i32
      %lt3A_545 = arith.cmpi slt, %rem3A_541, %lt3A_544 : i32
      %lt3A_546 = arith.constant 0 : i32
      %lt3A_547 = arith.cmpi slt, %select_n3A_540, %lt3A_546 : i32
      %ne3A_548 = arith.xori %lt3A_545, %lt3A_547 : i1
      %and3A_549 = arith.andi %ne3A_548, %ne3A_543 : i1
      %add3A_550 = arith.addi %rem3A_541, %select_n3A_540 : i32
      %select_n3A_551 = arith.select %and3A_549, %add3A_550, %rem3A_541 : i32
      %jit3A_552 = arith.constant 8 : i32
      %eq3A_553 = arith.constant 0 : i32
      %eq3A_554 = arith.cmpi eq, %jit3A_552, %eq3A_553 : i32
      %jit3A_555 = arith.constant 1 : i32
      %select_n3A_556 = arith.select %eq3A_554, %jit3A_555, %jit3A_552 : i32
      %rem3A_557 = arith.remsi %add3A_487, %select_n3A_556 : i32
      %ne3A_558 = arith.constant 0 : i32
      %ne3A_559 = arith.cmpi ne, %rem3A_557, %ne3A_558 : i32
      %lt3A_560 = arith.constant 0 : i32
      %lt3A_561 = arith.cmpi slt, %rem3A_557, %lt3A_560 : i32
      %lt3A_562 = arith.constant 0 : i32
      %lt3A_563 = arith.cmpi slt, %select_n3A_556, %lt3A_562 : i32
      %ne3A_564 = arith.xori %lt3A_561, %lt3A_563 : i1
      %and3A_565 = arith.andi %ne3A_564, %ne3A_559 : i1
      %add3A_566 = arith.addi %rem3A_557, %select_n3A_556 : i32
      %select_n3A_567 = arith.select %and3A_565, %add3A_566, %rem3A_557 : i32
      %mul3A_568 = arith.constant 8 : i32
      %mul3A_569 = arith.muli %select_n3A_511, %mul3A_568 : i32
      %add3A_570 = arith.addi %mul3A_569, %select_n3A_567 : i32
      %dma_wait3A_571 = arith.constant 0 : i32
      %dma_wait3A_572 = arith.constant 0 : i32
      %dma_wait3A_573 = arith.constant 0 : i32
      %dma_wait3A_574 = tpu.memref_slice %arg8[%dma_wait3A_571, %dma_wait3A_572, %dma_wait3A_573] : memref<8x8x129xf32, #tpu.memory_space<vmem>> -> memref<8x8x128xf32, #tpu.memory_space<vmem>>
      %dma_wait3A_575 = arith.constant 0 : i32
      %dma_wait3A_576 = arith.constant 0 : i32
      %dma_wait3A_577 = arith.constant 0 : i32
      %dma_wait3A_578 = tpu.memref_slice %arg4[%add3A_570, %dma_wait3A_575, %select_n3A_551, %dma_wait3A_576, %dma_wait3A_577] : memref<200x8x32x8x128xf32, #tpu.memory_space<hbm>> -> memref<1x8x1x8x128xf32, #tpu.memory_space<hbm>>
      %dma_wait3A_579 = tpu.memref_squeeze %dma_wait3A_578 : memref<1x8x1x8x128xf32, #tpu.memory_space<hbm>> -> memref<8x8x128xf32, #tpu.memory_space<hbm>>
      %dma_wait3A_580 = arith.constant 0 : i32
      %dma_wait3A_581 = arith.constant 0 : i32
      %dma_wait3A_582 = arith.constant 0 : i32
      %dma_wait3A_583 = tpu.memref_slice %arg4[%add3A_570, %dma_wait3A_580, %select_n3A_551, %dma_wait3A_581, %dma_wait3A_582] : memref<200x8x32x8x128xf32, #tpu.memory_space<hbm>> -> memref<1x8x1x8x128xf32, #tpu.memory_space<hbm>>
      %dma_wait3A_584 = tpu.memref_squeeze %dma_wait3A_583 : memref<1x8x1x8x128xf32, #tpu.memory_space<hbm>> -> memref<8x8x128xf32, #tpu.memory_space<hbm>>
      %dma_wait3A_585 = arith.constant 0 : i32
      %dma_wait3A_586 = arith.constant 0 : i32
      %dma_wait3A_587 = arith.constant 0 : i32
      %dma_wait3A_588 = tpu.memref_slice %arg8[%dma_wait3A_585, %dma_wait3A_586, %dma_wait3A_587] : memref<8x8x129xf32, #tpu.memory_space<vmem>> -> memref<8x8x128xf32, #tpu.memory_space<vmem>>
      tpu.wait_dma2 semaphore(%arg12 : memref<!tpu.dma_semaphore, #tpu.memory_space<semaphore_mem>>) src(%dma_wait3A_588 : memref<8x8x128xf32, #tpu.memory_space<vmem>>) dst(%dma_wait3A_584 : memref<8x8x128xf32, #tpu.memory_space<hbm>>)
      %parallel_loop3A_589 = arith.constant 0 : i32
      %parallel_loop3A_590 = arith.constant 128 : i32
      %parallel_loop3A_591 = arith.constant 1 : i32
      scf.for %parallel_loop3A_918 = %parallel_loop3A_589 to %parallel_loop3A_590 step %parallel_loop3A_591  : i32 {
        %parallel_loop3A_919 = vector.broadcast %parallel_loop3A_918 : i32 to vector<16xi32>
        %parallel_loop3A_920 = arith.index_cast %parallel_loop3A_918 : i32 to index
        %parallel_loop3A_921 = arith.constant 0 : index
        %parallel_loop3A_922 = tpu.vector_load %arg7[%parallel_loop3A_920, %parallel_loop3A_921] {strides = array<i32>} : memref<128x128xf32, #tpu.memory_space<vmem>>, vector<16xf32>,
        %parallel_loop3A_923 = arith.addi %mul3A_9, %parallel_loop3A_919 : vector<16xi32>
        %parallel_loop3A_924 = arith.constant 8.000000e+00 : f32
        %parallel_loop3A_925 = vector.broadcast %parallel_loop3A_924 : f32 to vector<16xf32>
        %parallel_loop3A_926 = arith.mulf %parallel_loop3A_922, %parallel_loop3A_925 : vector<16xf32>
        tpu.vector_store_idx %arg9[%broadcast_in_dim3A_3, %broadcast_in_dim3A_3, %parallel_loop3A_923], %parallel_loop3A_926 : memref<8x8x129xf32, #tpu.memory_space<vmem>>[vector<16xi32>, vector<16xi32>, vector<16xi32>], vector<16xf32>,
        %parallel_loop3A_927 = arith.index_cast %parallel_loop3A_918 : i32 to index
        %parallel_loop3A_928 = arith.constant 16 : index
        %parallel_loop3A_929 = tpu.vector_load %arg7[%parallel_loop3A_927, %parallel_loop3A_928] {strides = array<i32>} : memref<128x128xf32, #tpu.memory_space<vmem>>, vector<16xf32>,
        %parallel_loop3A_930 = arith.addi %mul3A_15, %parallel_loop3A_919 : vector<16xi32>
        %parallel_loop3A_931 = arith.constant 8.000000e+00 : f32
        %parallel_loop3A_932 = vector.broadcast %parallel_loop3A_931 : f32 to vector<16xf32>
        %parallel_loop3A_933 = arith.mulf %parallel_loop3A_929, %parallel_loop3A_932 : vector<16xf32>
        tpu.vector_store_idx %arg9[%broadcast_in_dim3A_3, %broadcast_in_dim3A_3, %parallel_loop3A_930], %parallel_loop3A_933 : memref<8x8x129xf32, #tpu.memory_space<vmem>>[vector<16xi32>, vector<16xi32>, vector<16xi32>], vector<16xf32>,
        %parallel_loop3A_934 = arith.index_cast %parallel_loop3A_918 : i32 to index
        %parallel_loop3A_935 = arith.constant 32 : index
        %parallel_loop3A_936 = tpu.vector_load %arg7[%parallel_loop3A_934, %parallel_loop3A_935] {strides = array<i32>} : memref<128x128xf32, #tpu.memory_space<vmem>>, vector<16xf32>,
        %parallel_loop3A_937 = arith.addi %mul3A_21, %parallel_loop3A_919 : vector<16xi32>
        %parallel_loop3A_938 = arith.constant 8.000000e+00 : f32
        %parallel_loop3A_939 = vector.broadcast %parallel_loop3A_938 : f32 to vector<16xf32>
        %parallel_loop3A_940 = arith.mulf %parallel_loop3A_936, %parallel_loop3A_939 : vector<16xf32>
        tpu.vector_store_idx %arg9[%broadcast_in_dim3A_3, %broadcast_in_dim3A_3, %parallel_loop3A_937], %parallel_loop3A_940 : memref<8x8x129xf32, #tpu.memory_space<vmem>>[vector<16xi32>, vector<16xi32>, vector<16xi32>], vector<16xf32>,
        %parallel_loop3A_941 = arith.index_cast %parallel_loop3A_918 : i32 to index
        %parallel_loop3A_942 = arith.constant 48 : index
        %parallel_loop3A_943 = tpu.vector_load %arg7[%parallel_loop3A_941, %parallel_loop3A_942] {strides = array<i32>} : memref<128x128xf32, #tpu.memory_space<vmem>>, vector<16xf32>,
        %parallel_loop3A_944 = arith.addi %mul3A_27, %parallel_loop3A_919 : vector<16xi32>
        %parallel_loop3A_945 = arith.constant 8.000000e+00 : f32
        %parallel_loop3A_946 = vector.broadcast %parallel_loop3A_945 : f32 to vector<16xf32>
        %parallel_loop3A_947 = arith.mulf %parallel_loop3A_943, %parallel_loop3A_946 : vector<16xf32>
        tpu.vector_store_idx %arg9[%broadcast_in_dim3A_3, %broadcast_in_dim3A_3, %parallel_loop3A_944], %parallel_loop3A_947 : memref<8x8x129xf32, #tpu.memory_space<vmem>>[vector<16xi32>, vector<16xi32>, vector<16xi32>], vector<16xf32>,
      } {sc.loop_unroll_factor = 4 : i64, sc.parallel_access}
      %add3A_592 = arith.addi %mul3A_2, %add3A_470 : i32
      %jit3A_593 = arith.constant 256 : i32
      %div3A_594 = arith.divsi %add3A_592, %jit3A_593 : i32
      %sign3A_595 = arith.constant 0 : i32
      %sign3A_596 = arith.cmpi sgt, %add3A_592, %sign3A_595 : i32
      %sign3A_597 = arith.extui %sign3A_596 : i1 to i32
      %sign3A_598 = arith.constant 0 : i32
      %sign3A_599 = arith.cmpi slt, %add3A_592, %sign3A_598 : i32
      %sign3A_600 = arith.extui %sign3A_599 : i1 to i32
      %sign3A_601 = arith.subi %sign3A_597, %sign3A_600 : i32
      %sign3A_602 = arith.constant 0 : i32
      %sign3A_603 = arith.cmpi sgt, %jit3A_593, %sign3A_602 : i32
      %sign3A_604 = arith.extui %sign3A_603 : i1 to i32
      %sign3A_605 = arith.constant 0 : i32
      %sign3A_606 = arith.cmpi slt, %jit3A_593, %sign3A_605 : i32
      %sign3A_607 = arith.extui %sign3A_606 : i1 to i32
      %sign3A_608 = arith.subi %sign3A_604, %sign3A_607 : i32
      %ne3A_609 = arith.cmpi ne, %sign3A_601, %sign3A_608 : i32
      %rem3A_610 = arith.remsi %add3A_592, %jit3A_593 : i32
      %ne3A_611 = arith.constant 0 : i32
      %ne3A_612 = arith.cmpi ne, %rem3A_610, %ne3A_611 : i32
      %and3A_613 = arith.andi %ne3A_609, %ne3A_612 : i1
      %sub3A_614 = arith.constant 1 : i32
      %sub3A_615 = arith.subi %div3A_594, %sub3A_614 : i32
      %select_n3A_616 = arith.select %and3A_613, %sub3A_615, %div3A_594 : i32
      %jit3A_617 = arith.constant 8 : i32
      %div3A_618 = arith.divsi %add3A_592, %jit3A_617 : i32
      %sign3A_619 = arith.constant 0 : i32
      %sign3A_620 = arith.cmpi sgt, %add3A_592, %sign3A_619 : i32
      %sign3A_621 = arith.extui %sign3A_620 : i1 to i32
      %sign3A_622 = arith.constant 0 : i32
      %sign3A_623 = arith.cmpi slt, %add3A_592, %sign3A_622 : i32
      %sign3A_624 = arith.extui %sign3A_623 : i1 to i32
      %sign3A_625 = arith.subi %sign3A_621, %sign3A_624 : i32
      %sign3A_626 = arith.constant 0 : i32
      %sign3A_627 = arith.cmpi sgt, %jit3A_617, %sign3A_626 : i32
      %sign3A_628 = arith.extui %sign3A_627 : i1 to i32
      %sign3A_629 = arith.constant 0 : i32
      %sign3A_630 = arith.cmpi slt, %jit3A_617, %sign3A_629 : i32
      %sign3A_631 = arith.extui %sign3A_630 : i1 to i32
      %sign3A_632 = arith.subi %sign3A_628, %sign3A_631 : i32
      %ne3A_633 = arith.cmpi ne, %sign3A_625, %sign3A_632 : i32
      %rem3A_634 = arith.remsi %add3A_592, %jit3A_617 : i32
      %ne3A_635 = arith.constant 0 : i32
      %ne3A_636 = arith.cmpi ne, %rem3A_634, %ne3A_635 : i32
      %and3A_637 = arith.andi %ne3A_633, %ne3A_636 : i1
      %sub3A_638 = arith.constant 1 : i32
      %sub3A_639 = arith.subi %div3A_618, %sub3A_638 : i32
      %select_n3A_640 = arith.select %and3A_637, %sub3A_639, %div3A_618 : i32
      %jit3A_641 = arith.constant 32 : i32
      %eq3A_642 = arith.constant 0 : i32
      %eq3A_643 = arith.cmpi eq, %jit3A_641, %eq3A_642 : i32
      %jit3A_644 = arith.constant 1 : i32
      %select_n3A_645 = arith.select %eq3A_643, %jit3A_644, %jit3A_641 : i32
      %rem3A_646 = arith.remsi %select_n3A_640, %select_n3A_645 : i32
      %ne3A_647 = arith.constant 0 : i32
      %ne3A_648 = arith.cmpi ne, %rem3A_646, %ne3A_647 : i32
      %lt3A_649 = arith.constant 0 : i32
      %lt3A_650 = arith.cmpi slt, %rem3A_646, %lt3A_649 : i32
      %lt3A_651 = arith.constant 0 : i32
      %lt3A_652 = arith.cmpi slt, %select_n3A_645, %lt3A_651 : i32
      %ne3A_653 = arith.xori %lt3A_650, %lt3A_652 : i1
      %and3A_654 = arith.andi %ne3A_653, %ne3A_648 : i1
      %add3A_655 = arith.addi %rem3A_646, %select_n3A_645 : i32
      %select_n3A_656 = arith.select %and3A_654, %add3A_655, %rem3A_646 : i32
      %jit3A_657 = arith.constant 8 : i32
      %eq3A_658 = arith.constant 0 : i32
      %eq3A_659 = arith.cmpi eq, %jit3A_657, %eq3A_658 : i32
      %jit3A_660 = arith.constant 1 : i32
      %select_n3A_661 = arith.select %eq3A_659, %jit3A_660, %jit3A_657 : i32
      %rem3A_662 = arith.remsi %add3A_592, %select_n3A_661 : i32
      %ne3A_663 = arith.constant 0 : i32
      %ne3A_664 = arith.cmpi ne, %rem3A_662, %ne3A_663 : i32
      %lt3A_665 = arith.constant 0 : i32
      %lt3A_666 = arith.cmpi slt, %rem3A_662, %lt3A_665 : i32
      %lt3A_667 = arith.constant 0 : i32
      %lt3A_668 = arith.cmpi slt, %select_n3A_661, %lt3A_667 : i32
      %ne3A_669 = arith.xori %lt3A_666, %lt3A_668 : i1
      %and3A_670 = arith.andi %ne3A_669, %ne3A_664 : i1
      %add3A_671 = arith.addi %rem3A_662, %select_n3A_661 : i32
      %select_n3A_672 = arith.select %and3A_670, %add3A_671, %rem3A_662 : i32
      %mul3A_673 = arith.constant 8 : i32
      %mul3A_674 = arith.muli %select_n3A_616, %mul3A_673 : i32
      %add3A_675 = arith.addi %mul3A_674, %select_n3A_672 : i32
      %dma_start3A_676 = arith.constant 0 : i32
      %dma_start3A_677 = arith.constant 0 : i32
      %dma_start3A_678 = arith.constant 0 : i32
      %dma_start3A_679 = tpu.memref_slice %arg9[%dma_start3A_676, %dma_start3A_677, %dma_start3A_678] : memref<8x8x129xf32, #tpu.memory_space<vmem>> -> memref<8x8x128xf32, #tpu.memory_space<vmem>>
      %dma_start3A_680 = arith.constant 0 : i32
      %dma_start3A_681 = arith.constant 0 : i32
      %dma_start3A_682 = arith.constant 0 : i32
      %dma_start3A_683 = tpu.memref_slice %arg4[%add3A_675, %dma_start3A_680, %select_n3A_656, %dma_start3A_681, %dma_start3A_682] : memref<200x8x32x8x128xf32, #tpu.memory_space<hbm>> -> memref<1x8x1x8x128xf32, #tpu.memory_space<hbm>>
      %dma_start3A_684 = tpu.memref_squeeze %dma_start3A_683 : memref<1x8x1x8x128xf32, #tpu.memory_space<hbm>> -> memref<8x8x128xf32, #tpu.memory_space<hbm>>
      %dma_start3A_685 = arith.constant 0 : i32
      %dma_start3A_686 = arith.constant 0 : i32
      %dma_start3A_687 = arith.constant 0 : i32
      %dma_start3A_688 = tpu.memref_slice %arg4[%add3A_675, %dma_start3A_685, %select_n3A_656, %dma_start3A_686, %dma_start3A_687] : memref<200x8x32x8x128xf32, #tpu.memory_space<hbm>> -> memref<1x8x1x8x128xf32, #tpu.memory_space<hbm>>
      %dma_start3A_689 = tpu.memref_squeeze %dma_start3A_688 : memref<1x8x1x8x128xf32, #tpu.memory_space<hbm>> -> memref<8x8x128xf32, #tpu.memory_space<hbm>>
      %dma_start3A_690 = arith.constant 0 : i32
      %dma_start3A_691 = arith.constant 0 : i32
      %dma_start3A_692 = arith.constant 0 : i32
      %dma_start3A_693 = tpu.memref_slice %arg9[%dma_start3A_690, %dma_start3A_691, %dma_start3A_692] : memref<8x8x129xf32, #tpu.memory_space<vmem>> -> memref<8x8x128xf32, #tpu.memory_space<vmem>>
      tpu.enqueue_dma source(%dma_start3A_693 : memref<8x8x128xf32, #tpu.memory_space<vmem>>) target(%dma_start3A_689 : memref<8x8x128xf32, #tpu.memory_space<hbm>>) target_semaphore(%arg13 : memref<!tpu.dma_semaphore, #tpu.memory_space<semaphore_mem>>)
      %add3A_694 = arith.constant 1 : i32
      %add3A_695 = arith.addi %add3A_470, %add3A_694 : i32
      %dma_wait3A_696 = arith.constant 0 : i32
      %dma_wait3A_697 = arith.constant 0 : i32
      %dma_wait3A_698 = tpu.memref_slice %arg3[%dma_wait3A_696, %dma_wait3A_697] : memref<1000000x128xf32, #tpu.memory_space<hbm>> -> memref<128x128xf32, #tpu.memory_space<hbm>>
      %dma_wait3A_699 = arith.constant 0 : i32
      %dma_wait3A_700 = arith.constant 0 : i32
      %dma_wait3A_701 = tpu.memref_slice %arg3[%dma_wait3A_699, %dma_wait3A_700] : memref<1000000x128xf32, #tpu.memory_space<hbm>> -> memref<128x128xf32, #tpu.memory_space<hbm>>
      tpu.wait_dma2 semaphore(%arg10 : memref<!tpu.dma_semaphore, #tpu.memory_space<semaphore_mem>>) src(%dma_wait3A_701 : memref<128x128xf32, #tpu.memory_space<hbm>>) dst(%arg6 : memref<128x128xf32, #tpu.memory_space<vmem>>)
      %add3A_702 = arith.constant 1 : i32
      %add3A_703 = arith.addi %add3A_695, %add3A_702 : i32
      %dma_start3A_704 = arith.constant 0 : i32
      %dma_start3A_705 = tpu.memref_slice %arg5[%add3A_703, %dma_start3A_704] : memref<200x128xi32, #tpu.memory_space<vmem>> -> memref<1x128xi32, #tpu.memory_space<vmem>>
      %dma_start3A_706 = tpu.memref_squeeze %dma_start3A_705 : memref<1x128xi32, #tpu.memory_space<vmem>> -> memref<128xi32, #tpu.memory_space<vmem>>
      %dma_start3A_707 = arith.constant 0 : i32
      %dma_start3A_708 = arith.constant 0 : i32
      %dma_start3A_709 = tpu.memref_slice %arg3[%dma_start3A_707, %dma_start3A_708] : memref<1000000x128xf32, #tpu.memory_space<hbm>> -> memref<1000000x128xf32, #tpu.memory_space<hbm>>
      tpu.enqueue_indirect_dma source(%dma_start3A_709 : memref<1000000x128xf32, #tpu.memory_space<hbm>>) target(%arg7 : memref<128x128xf32, #tpu.memory_space<vmem>>) offsets(%dma_start3A_706 : memref<128xi32, #tpu.memory_space<vmem>>) semaphore(%arg11 : memref<!tpu.dma_semaphore, #tpu.memory_space<semaphore_mem>>)
      %add3A_710 = arith.addi %mul3A_2, %add3A_470 : i32
      %jit3A_711 = arith.constant 256 : i32
      %div3A_712 = arith.divsi %add3A_710, %jit3A_711 : i32
      %sign3A_713 = arith.constant 0 : i32
      %sign3A_714 = arith.cmpi sgt, %add3A_710, %sign3A_713 : i32
      %sign3A_715 = arith.extui %sign3A_714 : i1 to i32
      %sign3A_716 = arith.constant 0 : i32
      %sign3A_717 = arith.cmpi slt, %add3A_710, %sign3A_716 : i32
      %sign3A_718 = arith.extui %sign3A_717 : i1 to i32
      %sign3A_719 = arith.subi %sign3A_715, %sign3A_718 : i32
      %sign3A_720 = arith.constant 0 : i32
      %sign3A_721 = arith.cmpi sgt, %jit3A_711, %sign3A_720 : i32
      %sign3A_722 = arith.extui %sign3A_721 : i1 to i32
      %sign3A_723 = arith.constant 0 : i32
      %sign3A_724 = arith.cmpi slt, %jit3A_711, %sign3A_723 : i32
      %sign3A_725 = arith.extui %sign3A_724 : i1 to i32
      %sign3A_726 = arith.subi %sign3A_722, %sign3A_725 : i32
      %ne3A_727 = arith.cmpi ne, %sign3A_719, %sign3A_726 : i32
      %rem3A_728 = arith.remsi %add3A_710, %jit3A_711 : i32
      %ne3A_729 = arith.constant 0 : i32
      %ne3A_730 = arith.cmpi ne, %rem3A_728, %ne3A_729 : i32
      %and3A_731 = arith.andi %ne3A_727, %ne3A_730 : i1
      %sub3A_732 = arith.constant 1 : i32
      %sub3A_733 = arith.subi %div3A_712, %sub3A_732 : i32
      %select_n3A_734 = arith.select %and3A_731, %sub3A_733, %div3A_712 : i32
      %jit3A_735 = arith.constant 8 : i32
      %div3A_736 = arith.divsi %add3A_710, %jit3A_735 : i32
      %sign3A_737 = arith.constant 0 : i32
      %sign3A_738 = arith.cmpi sgt, %add3A_710, %sign3A_737 : i32
      %sign3A_739 = arith.extui %sign3A_738 : i1 to i32
      %sign3A_740 = arith.constant 0 : i32
      %sign3A_741 = arith.cmpi slt, %add3A_710, %sign3A_740 : i32
      %sign3A_742 = arith.extui %sign3A_741 : i1 to i32
      %sign3A_743 = arith.subi %sign3A_739, %sign3A_742 : i32
      %sign3A_744 = arith.constant 0 : i32
      %sign3A_745 = arith.cmpi sgt, %jit3A_735, %sign3A_744 : i32
      %sign3A_746 = arith.extui %sign3A_745 : i1 to i32
      %sign3A_747 = arith.constant 0 : i32
      %sign3A_748 = arith.cmpi slt, %jit3A_735, %sign3A_747 : i32
      %sign3A_749 = arith.extui %sign3A_748 : i1 to i32
      %sign3A_750 = arith.subi %sign3A_746, %sign3A_749 : i32
      %ne3A_751 = arith.cmpi ne, %sign3A_743, %sign3A_750 : i32
      %rem3A_752 = arith.remsi %add3A_710, %jit3A_735 : i32
      %ne3A_753 = arith.constant 0 : i32
      %ne3A_754 = arith.cmpi ne, %rem3A_752, %ne3A_753 : i32
      %and3A_755 = arith.andi %ne3A_751, %ne3A_754 : i1
      %sub3A_756 = arith.constant 1 : i32
      %sub3A_757 = arith.subi %div3A_736, %sub3A_756 : i32
      %select_n3A_758 = arith.select %and3A_755, %sub3A_757, %div3A_736 : i32
      %jit3A_759 = arith.constant 32 : i32
      %eq3A_760 = arith.constant 0 : i32
      %eq3A_761 = arith.cmpi eq, %jit3A_759, %eq3A_760 : i32
      %jit3A_762 = arith.constant 1 : i32
      %select_n3A_763 = arith.select %eq3A_761, %jit3A_762, %jit3A_759 : i32
      %rem3A_764 = arith.remsi %select_n3A_758, %select_n3A_763 : i32
      %ne3A_765 = arith.constant 0 : i32
      %ne3A_766 = arith.cmpi ne, %rem3A_764, %ne3A_765 : i32
      %lt3A_767 = arith.constant 0 : i32
      %lt3A_768 = arith.cmpi slt, %rem3A_764, %lt3A_767 : i32
      %lt3A_769 = arith.constant 0 : i32
      %lt3A_770 = arith.cmpi slt, %select_n3A_763, %lt3A_769 : i32
      %ne3A_771 = arith.xori %lt3A_768, %lt3A_770 : i1
      %and3A_772 = arith.andi %ne3A_771, %ne3A_766 : i1
      %add3A_773 = arith.addi %rem3A_764, %select_n3A_763 : i32
      %select_n3A_774 = arith.select %and3A_772, %add3A_773, %rem3A_764 : i32
      %jit3A_775 = arith.constant 8 : i32
      %eq3A_776 = arith.constant 0 : i32
      %eq3A_777 = arith.cmpi eq, %jit3A_775, %eq3A_776 : i32
      %jit3A_778 = arith.constant 1 : i32
      %select_n3A_779 = arith.select %eq3A_777, %jit3A_778, %jit3A_775 : i32
      %rem3A_780 = arith.remsi %add3A_710, %select_n3A_779 : i32
      %ne3A_781 = arith.constant 0 : i32
      %ne3A_782 = arith.cmpi ne, %rem3A_780, %ne3A_781 : i32
      %lt3A_783 = arith.constant 0 : i32
      %lt3A_784 = arith.cmpi slt, %rem3A_780, %lt3A_783 : i32
      %lt3A_785 = arith.constant 0 : i32
      %lt3A_786 = arith.cmpi slt, %select_n3A_779, %lt3A_785 : i32
      %ne3A_787 = arith.xori %lt3A_784, %lt3A_786 : i1
      %and3A_788 = arith.andi %ne3A_787, %ne3A_782 : i1
      %add3A_789 = arith.addi %rem3A_780, %select_n3A_779 : i32
      %select_n3A_790 = arith.select %and3A_788, %add3A_789, %rem3A_780 : i32
      %mul3A_791 = arith.constant 8 : i32
      %mul3A_792 = arith.muli %select_n3A_734, %mul3A_791 : i32
      %add3A_793 = arith.addi %mul3A_792, %select_n3A_790 : i32
      %dma_wait3A_794 = arith.constant 0 : i32
      %dma_wait3A_795 = arith.constant 0 : i32
      %dma_wait3A_796 = arith.constant 0 : i32
      %dma_wait3A_797 = tpu.memref_slice %arg9[%dma_wait3A_794, %dma_wait3A_795, %dma_wait3A_796] : memref<8x8x129xf32, #tpu.memory_space<vmem>> -> memref<8x8x128xf32, #tpu.memory_space<vmem>>
      %dma_wait3A_798 = arith.constant 0 : i32
      %dma_wait3A_799 = arith.constant 0 : i32
      %dma_wait3A_800 = arith.constant 0 : i32
      %dma_wait3A_801 = tpu.memref_slice %arg4[%add3A_793, %dma_wait3A_798, %select_n3A_774, %dma_wait3A_799, %dma_wait3A_800] : memref<200x8x32x8x128xf32, #tpu.memory_space<hbm>> -> memref<1x8x1x8x128xf32, #tpu.memory_space<hbm>>
      %dma_wait3A_802 = tpu.memref_squeeze %dma_wait3A_801 : memref<1x8x1x8x128xf32, #tpu.memory_space<hbm>> -> memref<8x8x128xf32, #tpu.memory_space<hbm>>
      %dma_wait3A_803 = arith.constant 0 : i32
      %dma_wait3A_804 = arith.constant 0 : i32
      %dma_wait3A_805 = arith.constant 0 : i32
      %dma_wait3A_806 = tpu.memref_slice %arg4[%add3A_793, %dma_wait3A_803, %select_n3A_774, %dma_wait3A_804, %dma_wait3A_805] : memref<200x8x32x8x128xf32, #tpu.memory_space<hbm>> -> memref<1x8x1x8x128xf32, #tpu.memory_space<hbm>>
      %dma_wait3A_807 = tpu.memref_squeeze %dma_wait3A_806 : memref<1x8x1x8x128xf32, #tpu.memory_space<hbm>> -> memref<8x8x128xf32, #tpu.memory_space<hbm>>
      %dma_wait3A_808 = arith.constant 0 : i32
      %dma_wait3A_809 = arith.constant 0 : i32
      %dma_wait3A_810 = arith.constant 0 : i32
      %dma_wait3A_811 = tpu.memref_slice %arg9[%dma_wait3A_808, %dma_wait3A_809, %dma_wait3A_810] : memref<8x8x129xf32, #tpu.memory_space<vmem>> -> memref<8x8x128xf32, #tpu.memory_space<vmem>>
      tpu.wait_dma2 semaphore(%arg13 : memref<!tpu.dma_semaphore, #tpu.memory_space<semaphore_mem>>) src(%dma_wait3A_811 : memref<8x8x128xf32, #tpu.memory_space<vmem>>) dst(%dma_wait3A_807 : memref<8x8x128xf32, #tpu.memory_space<hbm>>)
      %parallel_loop3A_812 = arith.constant 0 : i32
      %parallel_loop3A_813 = arith.constant 128 : i32
      %parallel_loop3A_814 = arith.constant 1 : i32
      scf.for %parallel_loop3A_918 = %parallel_loop3A_812 to %parallel_loop3A_813 step %parallel_loop3A_814  : i32 {
        %parallel_loop3A_919 = vector.broadcast %parallel_loop3A_918 : i32 to vector<16xi32>
        %parallel_loop3A_920 = arith.index_cast %parallel_loop3A_918 : i32 to index
        %parallel_loop3A_921 = arith.constant 0 : index
        %parallel_loop3A_922 = tpu.vector_load %arg6[%parallel_loop3A_920, %parallel_loop3A_921] {strides = array<i32>} : memref<128x128xf32, #tpu.memory_space<vmem>>, vector<16xf32>,
        %parallel_loop3A_923 = arith.addi %mul3A_9, %parallel_loop3A_919 : vector<16xi32>
        %parallel_loop3A_924 = arith.constant 8.000000e+00 : f32
        %parallel_loop3A_925 = vector.broadcast %parallel_loop3A_924 : f32 to vector<16xf32>
        %parallel_loop3A_926 = arith.mulf %parallel_loop3A_922, %parallel_loop3A_925 : vector<16xf32>
        tpu.vector_store_idx %arg8[%broadcast_in_dim3A_3, %broadcast_in_dim3A_3, %parallel_loop3A_923], %parallel_loop3A_926 : memref<8x8x129xf32, #tpu.memory_space<vmem>>[vector<16xi32>, vector<16xi32>, vector<16xi32>], vector<16xf32>,
        %parallel_loop3A_927 = arith.index_cast %parallel_loop3A_918 : i32 to index
        %parallel_loop3A_928 = arith.constant 16 : index
        %parallel_loop3A_929 = tpu.vector_load %arg6[%parallel_loop3A_927, %parallel_loop3A_928] {strides = array<i32>} : memref<128x128xf32, #tpu.memory_space<vmem>>, vector<16xf32>,
        %parallel_loop3A_930 = arith.addi %mul3A_15, %parallel_loop3A_919 : vector<16xi32>
        %parallel_loop3A_931 = arith.constant 8.000000e+00 : f32
        %parallel_loop3A_932 = vector.broadcast %parallel_loop3A_931 : f32 to vector<16xf32>
        %parallel_loop3A_933 = arith.mulf %parallel_loop3A_929, %parallel_loop3A_932 : vector<16xf32>
        tpu.vector_store_idx %arg8[%broadcast_in_dim3A_3, %broadcast_in_dim3A_3, %parallel_loop3A_930], %parallel_loop3A_933 : memref<8x8x129xf32, #tpu.memory_space<vmem>>[vector<16xi32>, vector<16xi32>, vector<16xi32>], vector<16xf32>,
        %parallel_loop3A_934 = arith.index_cast %parallel_loop3A_918 : i32 to index
        %parallel_loop3A_935 = arith.constant 32 : index
        %parallel_loop3A_936 = tpu.vector_load %arg6[%parallel_loop3A_934, %parallel_loop3A_935] {strides = array<i32>} : memref<128x128xf32, #tpu.memory_space<vmem>>, vector<16xf32>,
        %parallel_loop3A_937 = arith.addi %mul3A_21, %parallel_loop3A_919 : vector<16xi32>
        %parallel_loop3A_938 = arith.constant 8.000000e+00 : f32
        %parallel_loop3A_939 = vector.broadcast %parallel_loop3A_938 : f32 to vector<16xf32>
        %parallel_loop3A_940 = arith.mulf %parallel_loop3A_936, %parallel_loop3A_939 : vector<16xf32>
        tpu.vector_store_idx %arg8[%broadcast_in_dim3A_3, %broadcast_in_dim3A_3, %parallel_loop3A_937], %parallel_loop3A_940 : memref<8x8x129xf32, #tpu.memory_space<vmem>>[vector<16xi32>, vector<16xi32>, vector<16xi32>], vector<16xf32>,
        %parallel_loop3A_941 = arith.index_cast %parallel_loop3A_918 : i32 to index
        %parallel_loop3A_942 = arith.constant 48 : index
        %parallel_loop3A_943 = tpu.vector_load %arg6[%parallel_loop3A_941, %parallel_loop3A_942] {strides = array<i32>} : memref<128x128xf32, #tpu.memory_space<vmem>>, vector<16xf32>,
        %parallel_loop3A_944 = arith.addi %mul3A_27, %parallel_loop3A_919 : vector<16xi32>
        %parallel_loop3A_945 = arith.constant 8.000000e+00 : f32
        %parallel_loop3A_946 = vector.broadcast %parallel_loop3A_945 : f32 to vector<16xf32>
        %parallel_loop3A_947 = arith.mulf %parallel_loop3A_943, %parallel_loop3A_946 : vector<16xf32>
        tpu.vector_store_idx %arg8[%broadcast_in_dim3A_3, %broadcast_in_dim3A_3, %parallel_loop3A_944], %parallel_loop3A_947 : memref<8x8x129xf32, #tpu.memory_space<vmem>>[vector<16xi32>, vector<16xi32>, vector<16xi32>], vector<16xf32>,
      } {sc.loop_unroll_factor = 4 : i64, sc.parallel_access}
      %add3A_815 = arith.addi %mul3A_2, %add3A_695 : i32
      %jit3A_816 = arith.constant 256 : i32
      %div3A_817 = arith.divsi %add3A_815, %jit3A_816 : i32
      %sign3A_818 = arith.constant 0 : i32
      %sign3A_819 = arith.cmpi sgt, %add3A_815, %sign3A_818 : i32
      %sign3A_820 = arith.extui %sign3A_819 : i1 to i32
      %sign3A_821 = arith.constant 0 : i32
      %sign3A_822 = arith.cmpi slt, %add3A_815, %sign3A_821 : i32
      %sign3A_823 = arith.extui %sign3A_822 : i1 to i32
      %sign3A_824 = arith.subi %sign3A_820, %sign3A_823 : i32
      %sign3A_825 = arith.constant 0 : i32
      %sign3A_826 = arith.cmpi sgt, %jit3A_816, %sign3A_825 : i32
      %sign3A_827 = arith.extui %sign3A_826 : i1 to i32
      %sign3A_828 = arith.constant 0 : i32
      %sign3A_829 = arith.cmpi slt, %jit3A_816, %sign3A_828 : i32
      %sign3A_830 = arith.extui %sign3A_829 : i1 to i32
      %sign3A_831 = arith.subi %sign3A_827, %sign3A_830 : i32
      %ne3A_832 = arith.cmpi ne, %sign3A_824, %sign3A_831 : i32
      %rem3A_833 = arith.remsi %add3A_815, %jit3A_816 : i32
      %ne3A_834 = arith.constant 0 : i32
      %ne3A_835 = arith.cmpi ne, %rem3A_833, %ne3A_834 : i32
      %and3A_836 = arith.andi %ne3A_832, %ne3A_835 : i1
      %sub3A_837 = arith.constant 1 : i32
      %sub3A_838 = arith.subi %div3A_817, %sub3A_837 : i32
      %select_n3A_839 = arith.select %and3A_836, %sub3A_838, %div3A_817 : i32
      %jit3A_840 = arith.constant 8 : i32
      %div3A_841 = arith.divsi %add3A_815, %jit3A_840 : i32
      %sign3A_842 = arith.constant 0 : i32
      %sign3A_843 = arith.cmpi sgt, %add3A_815, %sign3A_842 : i32
      %sign3A_844 = arith.extui %sign3A_843 : i1 to i32
      %sign3A_845 = arith.constant 0 : i32
      %sign3A_846 = arith.cmpi slt, %add3A_815, %sign3A_845 : i32
      %sign3A_847 = arith.extui %sign3A_846 : i1 to i32
      %sign3A_848 = arith.subi %sign3A_844, %sign3A_847 : i32
      %sign3A_849 = arith.constant 0 : i32
      %sign3A_850 = arith.cmpi sgt, %jit3A_840, %sign3A_849 : i32
      %sign3A_851 = arith.extui %sign3A_850 : i1 to i32
      %sign3A_852 = arith.constant 0 : i32
      %sign3A_853 = arith.cmpi slt, %jit3A_840, %sign3A_852 : i32
      %sign3A_854 = arith.extui %sign3A_853 : i1 to i32
      %sign3A_855 = arith.subi %sign3A_851, %sign3A_854 : i32
      %ne3A_856 = arith.cmpi ne, %sign3A_848, %sign3A_855 : i32
      %rem3A_857 = arith.remsi %add3A_815, %jit3A_840 : i32
      %ne3A_858 = arith.constant 0 : i32
      %ne3A_859 = arith.cmpi ne, %rem3A_857, %ne3A_858 : i32
      %and3A_860 = arith.andi %ne3A_856, %ne3A_859 : i1
      %sub3A_861 = arith.constant 1 : i32
      %sub3A_862 = arith.subi %div3A_841, %sub3A_861 : i32
      %select_n3A_863 = arith.select %and3A_860, %sub3A_862, %div3A_841 : i32
      %jit3A_864 = arith.constant 32 : i32
      %eq3A_865 = arith.constant 0 : i32
      %eq3A_866 = arith.cmpi eq, %jit3A_864, %eq3A_865 : i32
      %jit3A_867 = arith.constant 1 : i32
      %select_n3A_868 = arith.select %eq3A_866, %jit3A_867, %jit3A_864 : i32
      %rem3A_869 = arith.remsi %select_n3A_863, %select_n3A_868 : i32
      %ne3A_870 = arith.constant 0 : i32
      %ne3A_871 = arith.cmpi ne, %rem3A_869, %ne3A_870 : i32
      %lt3A_872 = arith.constant 0 : i32
      %lt3A_873 = arith.cmpi slt, %rem3A_869, %lt3A_872 : i32
      %lt3A_874 = arith.constant 0 : i32
      %lt3A_875 = arith.cmpi slt, %select_n3A_868, %lt3A_874 : i32
      %ne3A_876 = arith.xori %lt3A_873, %lt3A_875 : i1
      %and3A_877 = arith.andi %ne3A_876, %ne3A_871 : i1
      %add3A_878 = arith.addi %rem3A_869, %select_n3A_868 : i32
      %select_n3A_879 = arith.select %and3A_877, %add3A_878, %rem3A_869 : i32
      %jit3A_880 = arith.constant 8 : i32
      %eq3A_881 = arith.constant 0 : i32
      %eq3A_882 = arith.cmpi eq, %jit3A_880, %eq3A_881 : i32
      %jit3A_883 = arith.constant 1 : i32
      %select_n3A_884 = arith.select %eq3A_882, %jit3A_883, %jit3A_880 : i32
      %rem3A_885 = arith.remsi %add3A_815, %select_n3A_884 : i32
      %ne3A_886 = arith.constant 0 : i32
      %ne3A_887 = arith.cmpi ne, %rem3A_885, %ne3A_886 : i32
      %lt3A_888 = arith.constant 0 : i32
      %lt3A_889 = arith.cmpi slt, %rem3A_885, %lt3A_888 : i32
      %lt3A_890 = arith.constant 0 : i32
      %lt3A_891 = arith.cmpi slt, %select_n3A_884, %lt3A_890 : i32
      %ne3A_892 = arith.xori %lt3A_889, %lt3A_891 : i1
      %and3A_893 = arith.andi %ne3A_892, %ne3A_887 : i1
      %add3A_894 = arith.addi %rem3A_885, %select_n3A_884 : i32
      %select_n3A_895 = arith.select %and3A_893, %add3A_894, %rem3A_885 : i32
      %mul3A_896 = arith.constant 8 : i32
      %mul3A_897 = arith.muli %select_n3A_839, %mul3A_896 : i32
      %add3A_898 = arith.addi %mul3A_897, %select_n3A_895 : i32
      %dma_start3A_899 = arith.constant 0 : i32
      %dma_start3A_900 = arith.constant 0 : i32
      %dma_start3A_901 = arith.constant 0 : i32
      %dma_start3A_902 = tpu.memref_slice %arg8[%dma_start3A_899, %dma_start3A_900, %dma_start3A_901] : memref<8x8x129xf32, #tpu.memory_space<vmem>> -> memref<8x8x128xf32, #tpu.memory_space<vmem>>
      %dma_start3A_903 = arith.constant 0 : i32
      %dma_start3A_904 = arith.constant 0 : i32
      %dma_start3A_905 = arith.constant 0 : i32
      %dma_start3A_906 = tpu.memref_slice %arg4[%add3A_898, %dma_start3A_903, %select_n3A_879, %dma_start3A_904, %dma_start3A_905] : memref<200x8x32x8x128xf32, #tpu.memory_space<hbm>> -> memref<1x8x1x8x128xf32, #tpu.memory_space<hbm>>
      %dma_start3A_907 = tpu.memref_squeeze %dma_start3A_906 : memref<1x8x1x8x128xf32, #tpu.memory_space<hbm>> -> memref<8x8x128xf32, #tpu.memory_space<hbm>>
      %dma_start3A_908 = arith.constant 0 : i32
      %dma_start3A_909 = arith.constant 0 : i32
      %dma_start3A_910 = arith.constant 0 : i32
      %dma_start3A_911 = tpu.memref_slice %arg4[%add3A_898, %dma_start3A_908, %select_n3A_879, %dma_start3A_909, %dma_start3A_910] : memref<200x8x32x8x128xf32, #tpu.memory_space<hbm>> -> memref<1x8x1x8x128xf32, #tpu.memory_space<hbm>>
      %dma_start3A_912 = tpu.memref_squeeze %dma_start3A_911 : memref<1x8x1x8x128xf32, #tpu.memory_space<hbm>> -> memref<8x8x128xf32, #tpu.memory_space<hbm>>
      %dma_start3A_913 = arith.constant 0 : i32
      %dma_start3A_914 = arith.constant 0 : i32
      %dma_start3A_915 = arith.constant 0 : i32
      %dma_start3A_916 = tpu.memref_slice %arg8[%dma_start3A_913, %dma_start3A_914, %dma_start3A_915] : memref<8x8x129xf32, #tpu.memory_space<vmem>> -> memref<8x8x128xf32, #tpu.memory_space<vmem>>
      tpu.enqueue_dma source(%dma_start3A_916 : memref<8x8x128xf32, #tpu.memory_space<vmem>>) target(%dma_start3A_912 : memref<8x8x128xf32, #tpu.memory_space<hbm>>) target_semaphore(%arg12 : memref<!tpu.dma_semaphore, #tpu.memory_space<semaphore_mem>>)
      %scan3A_917 = arith.constant 0 : i32
      scf.yield %scan3A_917 : i32
    }
    %scan3A_146 = arith.constant 99 : i32
    %dma_wait3A_147 = arith.constant 0 : i32
    %dma_wait3A_148 = arith.constant 0 : i32
    %dma_wait3A_149 = tpu.memref_slice %arg3[%dma_wait3A_147, %dma_wait3A_148] : memref<1000000x128xf32, #tpu.memory_space<hbm>> -> memref<128x128xf32, #tpu.memory_space<hbm>>
    %dma_wait3A_150 = arith.constant 0 : i32
    %dma_wait3A_151 = arith.constant 0 : i32
    %dma_wait3A_152 = tpu.memref_slice %arg3[%dma_wait3A_150, %dma_wait3A_151] : memref<1000000x128xf32, #tpu.memory_space<hbm>> -> memref<128x128xf32, #tpu.memory_space<hbm>>
    tpu.wait_dma2 semaphore(%arg11 : memref<!tpu.dma_semaphore, #tpu.memory_space<semaphore_mem>>) src(%dma_wait3A_152 : memref<128x128xf32, #tpu.memory_space<hbm>>) dst(%arg7 : memref<128x128xf32, #tpu.memory_space<vmem>>)
    %add3A_153 = arith.constant 198 : i32
    %add3A_154 = arith.addi %mul3A_2, %add3A_153 : i32
    %jit3A_155 = arith.constant 256 : i32
    %div3A_156 = arith.divsi %add3A_154, %jit3A_155 : i32
    %sign3A_157 = arith.constant 0 : i32
    %sign3A_158 = arith.cmpi sgt, %add3A_154, %sign3A_157 : i32
    %sign3A_159 = arith.extui %sign3A_158 : i1 to i32
    %sign3A_160 = arith.constant 0 : i32
    %sign3A_161 = arith.cmpi slt, %add3A_154, %sign3A_160 : i32
    %sign3A_162 = arith.extui %sign3A_161 : i1 to i32
    %sign3A_163 = arith.subi %sign3A_159, %sign3A_162 : i32
    %sign3A_164 = arith.constant 0 : i32
    %sign3A_165 = arith.cmpi sgt, %jit3A_155, %sign3A_164 : i32
    %sign3A_166 = arith.extui %sign3A_165 : i1 to i32
    %sign3A_167 = arith.constant 0 : i32
    %sign3A_168 = arith.cmpi slt, %jit3A_155, %sign3A_167 : i32
    %sign3A_169 = arith.extui %sign3A_168 : i1 to i32
    %sign3A_170 = arith.subi %sign3A_166, %sign3A_169 : i32
    %ne3A_171 = arith.cmpi ne, %sign3A_163, %sign3A_170 : i32
    %rem3A_172 = arith.remsi %add3A_154, %jit3A_155 : i32
    %ne3A_173 = arith.constant 0 : i32
    %ne3A_174 = arith.cmpi ne, %rem3A_172, %ne3A_173 : i32
    %and3A_175 = arith.andi %ne3A_171, %ne3A_174 : i1
    %sub3A_176 = arith.constant 1 : i32
    %sub3A_177 = arith.subi %div3A_156, %sub3A_176 : i32
    %select_n3A_178 = arith.select %and3A_175, %sub3A_177, %div3A_156 : i32
    %jit3A_179 = arith.constant 8 : i32
    %div3A_180 = arith.divsi %add3A_154, %jit3A_179 : i32
    %sign3A_181 = arith.constant 0 : i32
    %sign3A_182 = arith.cmpi sgt, %add3A_154, %sign3A_181 : i32
    %sign3A_183 = arith.extui %sign3A_182 : i1 to i32
    %sign3A_184 = arith.constant 0 : i32
    %sign3A_185 = arith.cmpi slt, %add3A_154, %sign3A_184 : i32
    %sign3A_186 = arith.extui %sign3A_185 : i1 to i32
    %sign3A_187 = arith.subi %sign3A_183, %sign3A_186 : i32
    %sign3A_188 = arith.constant 0 : i32
    %sign3A_189 = arith.cmpi sgt, %jit3A_179, %sign3A_188 : i32
    %sign3A_190 = arith.extui %sign3A_189 : i1 to i32
    %sign3A_191 = arith.constant 0 : i32
    %sign3A_192 = arith.cmpi slt, %jit3A_179, %sign3A_191 : i32
    %sign3A_193 = arith.extui %sign3A_192 : i1 to i32
    %sign3A_194 = arith.subi %sign3A_190, %sign3A_193 : i32
    %ne3A_195 = arith.cmpi ne, %sign3A_187, %sign3A_194 : i32
    %rem3A_196 = arith.remsi %add3A_154, %jit3A_179 : i32
    %ne3A_197 = arith.constant 0 : i32
    %ne3A_198 = arith.cmpi ne, %rem3A_196, %ne3A_197 : i32
    %and3A_199 = arith.andi %ne3A_195, %ne3A_198 : i1
    %sub3A_200 = arith.constant 1 : i32
    %sub3A_201 = arith.subi %div3A_180, %sub3A_200 : i32
    %select_n3A_202 = arith.select %and3A_199, %sub3A_201, %div3A_180 : i32
    %jit3A_203 = arith.constant 32 : i32
    %eq3A_204 = arith.constant 0 : i32
    %eq3A_205 = arith.cmpi eq, %jit3A_203, %eq3A_204 : i32
    %jit3A_206 = arith.constant 1 : i32
    %select_n3A_207 = arith.select %eq3A_205, %jit3A_206, %jit3A_203 : i32
    %rem3A_208 = arith.remsi %select_n3A_202, %select_n3A_207 : i32
    %ne3A_209 = arith.constant 0 : i32
    %ne3A_210 = arith.cmpi ne, %rem3A_208, %ne3A_209 : i32
    %lt3A_211 = arith.constant 0 : i32
    %lt3A_212 = arith.cmpi slt, %rem3A_208, %lt3A_211 : i32
    %lt3A_213 = arith.constant 0 : i32
    %lt3A_214 = arith.cmpi slt, %select_n3A_207, %lt3A_213 : i32
    %ne3A_215 = arith.xori %lt3A_212, %lt3A_214 : i1
    %and3A_216 = arith.andi %ne3A_215, %ne3A_210 : i1
    %add3A_217 = arith.addi %rem3A_208, %select_n3A_207 : i32
    %select_n3A_218 = arith.select %and3A_216, %add3A_217, %rem3A_208 : i32
    %jit3A_219 = arith.constant 8 : i32
    %eq3A_220 = arith.constant 0 : i32
    %eq3A_221 = arith.cmpi eq, %jit3A_219, %eq3A_220 : i32
    %jit3A_222 = arith.constant 1 : i32
    %select_n3A_223 = arith.select %eq3A_221, %jit3A_222, %jit3A_219 : i32
    %rem3A_224 = arith.remsi %add3A_154, %select_n3A_223 : i32
    %ne3A_225 = arith.constant 0 : i32
    %ne3A_226 = arith.cmpi ne, %rem3A_224, %ne3A_225 : i32
    %lt3A_227 = arith.constant 0 : i32
    %lt3A_228 = arith.cmpi slt, %rem3A_224, %lt3A_227 : i32
    %lt3A_229 = arith.constant 0 : i32
    %lt3A_230 = arith.cmpi slt, %select_n3A_223, %lt3A_229 : i32
    %ne3A_231 = arith.xori %lt3A_228, %lt3A_230 : i1
    %and3A_232 = arith.andi %ne3A_231, %ne3A_226 : i1
    %add3A_233 = arith.addi %rem3A_224, %select_n3A_223 : i32
    %select_n3A_234 = arith.select %and3A_232, %add3A_233, %rem3A_224 : i32
    %mul3A_235 = arith.constant 8 : i32
    %mul3A_236 = arith.muli %select_n3A_178, %mul3A_235 : i32
    %add3A_237 = arith.addi %mul3A_236, %select_n3A_234 : i32
    %dma_wait3A_238 = arith.constant 0 : i32
    %dma_wait3A_239 = arith.constant 0 : i32
    %dma_wait3A_240 = arith.constant 0 : i32
    %dma_wait3A_241 = tpu.memref_slice %arg8[%dma_wait3A_238, %dma_wait3A_239, %dma_wait3A_240] : memref<8x8x129xf32, #tpu.memory_space<vmem>> -> memref<8x8x128xf32, #tpu.memory_space<vmem>>
    %dma_wait3A_242 = arith.constant 0 : i32
    %dma_wait3A_243 = arith.constant 0 : i32
    %dma_wait3A_244 = arith.constant 0 : i32
    %dma_wait3A_245 = tpu.memref_slice %arg4[%add3A_237, %dma_wait3A_242, %select_n3A_218, %dma_wait3A_243, %dma_wait3A_244] : memref<200x8x32x8x128xf32, #tpu.memory_space<hbm>> -> memref<1x8x1x8x128xf32, #tpu.memory_space<hbm>>
    %dma_wait3A_246 = tpu.memref_squeeze %dma_wait3A_245 : memref<1x8x1x8x128xf32, #tpu.memory_space<hbm>> -> memref<8x8x128xf32, #tpu.memory_space<hbm>>
    %dma_wait3A_247 = arith.constant 0 : i32
    %dma_wait3A_248 = arith.constant 0 : i32
    %dma_wait3A_249 = arith.constant 0 : i32
    %dma_wait3A_250 = tpu.memref_slice %arg4[%add3A_237, %dma_wait3A_247, %select_n3A_218, %dma_wait3A_248, %dma_wait3A_249] : memref<200x8x32x8x128xf32, #tpu.memory_space<hbm>> -> memref<1x8x1x8x128xf32, #tpu.memory_space<hbm>>
    %dma_wait3A_251 = tpu.memref_squeeze %dma_wait3A_250 : memref<1x8x1x8x128xf32, #tpu.memory_space<hbm>> -> memref<8x8x128xf32, #tpu.memory_space<hbm>>
    %dma_wait3A_252 = arith.constant 0 : i32
    %dma_wait3A_253 = arith.constant 0 : i32
    %dma_wait3A_254 = arith.constant 0 : i32
    %dma_wait3A_255 = tpu.memref_slice %arg8[%dma_wait3A_252, %dma_wait3A_253, %dma_wait3A_254] : memref<8x8x129xf32, #tpu.memory_space<vmem>> -> memref<8x8x128xf32, #tpu.memory_space<vmem>>
    tpu.wait_dma2 semaphore(%arg12 : memref<!tpu.dma_semaphore, #tpu.memory_space<semaphore_mem>>) src(%dma_wait3A_255 : memref<8x8x128xf32, #tpu.memory_space<vmem>>) dst(%dma_wait3A_251 : memref<8x8x128xf32, #tpu.memory_space<hbm>>)
    %parallel_loop3A_256 = arith.constant 0 : i32
    %parallel_loop3A_257 = arith.constant 128 : i32
    %parallel_loop3A_258 = arith.constant 1 : i32
    scf.for %parallel_loop3A_465 = %parallel_loop3A_256 to %parallel_loop3A_257 step %parallel_loop3A_258  : i32 {
      %parallel_loop3A_466 = vector.broadcast %parallel_loop3A_465 : i32 to vector<16xi32>
      %parallel_loop3A_467 = arith.index_cast %parallel_loop3A_465 : i32 to index
      %parallel_loop3A_468 = arith.constant 0 : index
      %parallel_loop3A_469 = tpu.vector_load %arg7[%parallel_loop3A_467, %parallel_loop3A_468] {strides = array<i32>} : memref<128x128xf32, #tpu.memory_space<vmem>>, vector<16xf32>,
      %parallel_loop3A_470 = arith.addi %mul3A_9, %parallel_loop3A_466 : vector<16xi32>
      %parallel_loop3A_471 = arith.constant 8.000000e+00 : f32
      %parallel_loop3A_472 = vector.broadcast %parallel_loop3A_471 : f32 to vector<16xf32>
      %parallel_loop3A_473 = arith.mulf %parallel_loop3A_469, %parallel_loop3A_472 : vector<16xf32>
      tpu.vector_store_idx %arg9[%broadcast_in_dim3A_3, %broadcast_in_dim3A_3, %parallel_loop3A_470], %parallel_loop3A_473 : memref<8x8x129xf32, #tpu.memory_space<vmem>>[vector<16xi32>, vector<16xi32>, vector<16xi32>], vector<16xf32>,
      %parallel_loop3A_474 = arith.index_cast %parallel_loop3A_465 : i32 to index
      %parallel_loop3A_475 = arith.constant 16 : index
      %parallel_loop3A_476 = tpu.vector_load %arg7[%parallel_loop3A_474, %parallel_loop3A_475] {strides = array<i32>} : memref<128x128xf32, #tpu.memory_space<vmem>>, vector<16xf32>,
      %parallel_loop3A_477 = arith.addi %mul3A_15, %parallel_loop3A_466 : vector<16xi32>
      %parallel_loop3A_478 = arith.constant 8.000000e+00 : f32
      %parallel_loop3A_479 = vector.broadcast %parallel_loop3A_478 : f32 to vector<16xf32>
      %parallel_loop3A_480 = arith.mulf %parallel_loop3A_476, %parallel_loop3A_479 : vector<16xf32>
      tpu.vector_store_idx %arg9[%broadcast_in_dim3A_3, %broadcast_in_dim3A_3, %parallel_loop3A_477], %parallel_loop3A_480 : memref<8x8x129xf32, #tpu.memory_space<vmem>>[vector<16xi32>, vector<16xi32>, vector<16xi32>], vector<16xf32>,
      %parallel_loop3A_481 = arith.index_cast %parallel_loop3A_465 : i32 to index
      %parallel_loop3A_482 = arith.constant 32 : index
      %parallel_loop3A_483 = tpu.vector_load %arg7[%parallel_loop3A_481, %parallel_loop3A_482] {strides = array<i32>} : memref<128x128xf32, #tpu.memory_space<vmem>>, vector<16xf32>,
      %parallel_loop3A_484 = arith.addi %mul3A_21, %parallel_loop3A_466 : vector<16xi32>
      %parallel_loop3A_485 = arith.constant 8.000000e+00 : f32
      %parallel_loop3A_486 = vector.broadcast %parallel_loop3A_485 : f32 to vector<16xf32>
      %parallel_loop3A_487 = arith.mulf %parallel_loop3A_483, %parallel_loop3A_486 : vector<16xf32>
      tpu.vector_store_idx %arg9[%broadcast_in_dim3A_3, %broadcast_in_dim3A_3, %parallel_loop3A_484], %parallel_loop3A_487 : memref<8x8x129xf32, #tpu.memory_space<vmem>>[vector<16xi32>, vector<16xi32>, vector<16xi32>], vector<16xf32>,
      %parallel_loop3A_488 = arith.index_cast %parallel_loop3A_465 : i32 to index
      %parallel_loop3A_489 = arith.constant 48 : index
      %parallel_loop3A_490 = tpu.vector_load %arg7[%parallel_loop3A_488, %parallel_loop3A_489] {strides = array<i32>} : memref<128x128xf32, #tpu.memory_space<vmem>>, vector<16xf32>,
      %parallel_loop3A_491 = arith.addi %mul3A_27, %parallel_loop3A_466 : vector<16xi32>
      %parallel_loop3A_492 = arith.constant 8.000000e+00 : f32
      %parallel_loop3A_493 = vector.broadcast %parallel_loop3A_492 : f32 to vector<16xf32>
      %parallel_loop3A_494 = arith.mulf %parallel_loop3A_490, %parallel_loop3A_493 : vector<16xf32>
      tpu.vector_store_idx %arg9[%broadcast_in_dim3A_3, %broadcast_in_dim3A_3, %parallel_loop3A_491], %parallel_loop3A_494 : memref<8x8x129xf32, #tpu.memory_space<vmem>>[vector<16xi32>, vector<16xi32>, vector<16xi32>], vector<16xf32>,
    } {sc.loop_unroll_factor = 4 : i64, sc.parallel_access}
    %add3A_259 = arith.constant 199 : i32
    %add3A_260 = arith.addi %mul3A_2, %add3A_259 : i32
    %jit3A_261 = arith.constant 256 : i32
    %div3A_262 = arith.divsi %add3A_260, %jit3A_261 : i32
    %sign3A_263 = arith.constant 0 : i32
    %sign3A_264 = arith.cmpi sgt, %add3A_260, %sign3A_263 : i32
    %sign3A_265 = arith.extui %sign3A_264 : i1 to i32
    %sign3A_266 = arith.constant 0 : i32
    %sign3A_267 = arith.cmpi slt, %add3A_260, %sign3A_266 : i32
    %sign3A_268 = arith.extui %sign3A_267 : i1 to i32
    %sign3A_269 = arith.subi %sign3A_265, %sign3A_268 : i32
    %sign3A_270 = arith.constant 0 : i32
    %sign3A_271 = arith.cmpi sgt, %jit3A_261, %sign3A_270 : i32
    %sign3A_272 = arith.extui %sign3A_271 : i1 to i32
    %sign3A_273 = arith.constant 0 : i32
    %sign3A_274 = arith.cmpi slt, %jit3A_261, %sign3A_273 : i32
    %sign3A_275 = arith.extui %sign3A_274 : i1 to i32
    %sign3A_276 = arith.subi %sign3A_272, %sign3A_275 : i32
    %ne3A_277 = arith.cmpi ne, %sign3A_269, %sign3A_276 : i32
    %rem3A_278 = arith.remsi %add3A_260, %jit3A_261 : i32
    %ne3A_279 = arith.constant 0 : i32
    %ne3A_280 = arith.cmpi ne, %rem3A_278, %ne3A_279 : i32
    %and3A_281 = arith.andi %ne3A_277, %ne3A_280 : i1
    %sub3A_282 = arith.constant 1 : i32
    %sub3A_283 = arith.subi %div3A_262, %sub3A_282 : i32
    %select_n3A_284 = arith.select %and3A_281, %sub3A_283, %div3A_262 : i32
    %jit3A_285 = arith.constant 8 : i32
    %div3A_286 = arith.divsi %add3A_260, %jit3A_285 : i32
    %sign3A_287 = arith.constant 0 : i32
    %sign3A_288 = arith.cmpi sgt, %add3A_260, %sign3A_287 : i32
    %sign3A_289 = arith.extui %sign3A_288 : i1 to i32
    %sign3A_290 = arith.constant 0 : i32
    %sign3A_291 = arith.cmpi slt, %add3A_260, %sign3A_290 : i32
    %sign3A_292 = arith.extui %sign3A_291 : i1 to i32
    %sign3A_293 = arith.subi %sign3A_289, %sign3A_292 : i32
    %sign3A_294 = arith.constant 0 : i32
    %sign3A_295 = arith.cmpi sgt, %jit3A_285, %sign3A_294 : i32
    %sign3A_296 = arith.extui %sign3A_295 : i1 to i32
    %sign3A_297 = arith.constant 0 : i32
    %sign3A_298 = arith.cmpi slt, %jit3A_285, %sign3A_297 : i32
    %sign3A_299 = arith.extui %sign3A_298 : i1 to i32
    %sign3A_300 = arith.subi %sign3A_296, %sign3A_299 : i32
    %ne3A_301 = arith.cmpi ne, %sign3A_293, %sign3A_300 : i32
    %rem3A_302 = arith.remsi %add3A_260, %jit3A_285 : i32
    %ne3A_303 = arith.constant 0 : i32
    %ne3A_304 = arith.cmpi ne, %rem3A_302, %ne3A_303 : i32
    %and3A_305 = arith.andi %ne3A_301, %ne3A_304 : i1
    %sub3A_306 = arith.constant 1 : i32
    %sub3A_307 = arith.subi %div3A_286, %sub3A_306 : i32
    %select_n3A_308 = arith.select %and3A_305, %sub3A_307, %div3A_286 : i32
    %jit3A_309 = arith.constant 32 : i32
    %eq3A_310 = arith.constant 0 : i32
    %eq3A_311 = arith.cmpi eq, %jit3A_309, %eq3A_310 : i32
    %jit3A_312 = arith.constant 1 : i32
    %select_n3A_313 = arith.select %eq3A_311, %jit3A_312, %jit3A_309 : i32
    %rem3A_314 = arith.remsi %select_n3A_308, %select_n3A_313 : i32
    %ne3A_315 = arith.constant 0 : i32
    %ne3A_316 = arith.cmpi ne, %rem3A_314, %ne3A_315 : i32
    %lt3A_317 = arith.constant 0 : i32
    %lt3A_318 = arith.cmpi slt, %rem3A_314, %lt3A_317 : i32
    %lt3A_319 = arith.constant 0 : i32
    %lt3A_320 = arith.cmpi slt, %select_n3A_313, %lt3A_319 : i32
    %ne3A_321 = arith.xori %lt3A_318, %lt3A_320 : i1
    %and3A_322 = arith.andi %ne3A_321, %ne3A_316 : i1
    %add3A_323 = arith.addi %rem3A_314, %select_n3A_313 : i32
    %select_n3A_324 = arith.select %and3A_322, %add3A_323, %rem3A_314 : i32
    %jit3A_325 = arith.constant 8 : i32
    %eq3A_326 = arith.constant 0 : i32
    %eq3A_327 = arith.cmpi eq, %jit3A_325, %eq3A_326 : i32
    %jit3A_328 = arith.constant 1 : i32
    %select_n3A_329 = arith.select %eq3A_327, %jit3A_328, %jit3A_325 : i32
    %rem3A_330 = arith.remsi %add3A_260, %select_n3A_329 : i32
    %ne3A_331 = arith.constant 0 : i32
    %ne3A_332 = arith.cmpi ne, %rem3A_330, %ne3A_331 : i32
    %lt3A_333 = arith.constant 0 : i32
    %lt3A_334 = arith.cmpi slt, %rem3A_330, %lt3A_333 : i32
    %lt3A_335 = arith.constant 0 : i32
    %lt3A_336 = arith.cmpi slt, %select_n3A_329, %lt3A_335 : i32
    %ne3A_337 = arith.xori %lt3A_334, %lt3A_336 : i1
    %and3A_338 = arith.andi %ne3A_337, %ne3A_332 : i1
    %add3A_339 = arith.addi %rem3A_330, %select_n3A_329 : i32
    %select_n3A_340 = arith.select %and3A_338, %add3A_339, %rem3A_330 : i32
    %mul3A_341 = arith.constant 8 : i32
    %mul3A_342 = arith.muli %select_n3A_284, %mul3A_341 : i32
    %add3A_343 = arith.addi %mul3A_342, %select_n3A_340 : i32
    %dma_start3A_344 = arith.constant 0 : i32
    %dma_start3A_345 = arith.constant 0 : i32
    %dma_start3A_346 = arith.constant 0 : i32
    %dma_start3A_347 = tpu.memref_slice %arg9[%dma_start3A_344, %dma_start3A_345, %dma_start3A_346] : memref<8x8x129xf32, #tpu.memory_space<vmem>> -> memref<8x8x128xf32, #tpu.memory_space<vmem>>
    %dma_start3A_348 = arith.constant 0 : i32
    %dma_start3A_349 = arith.constant 0 : i32
    %dma_start3A_350 = arith.constant 0 : i32
    %dma_start3A_351 = tpu.memref_slice %arg4[%add3A_343, %dma_start3A_348, %select_n3A_324, %dma_start3A_349, %dma_start3A_350] : memref<200x8x32x8x128xf32, #tpu.memory_space<hbm>> -> memref<1x8x1x8x128xf32, #tpu.memory_space<hbm>>
    %dma_start3A_352 = tpu.memref_squeeze %dma_start3A_351 : memref<1x8x1x8x128xf32, #tpu.memory_space<hbm>> -> memref<8x8x128xf32, #tpu.memory_space<hbm>>
    %dma_start3A_353 = arith.constant 0 : i32
    %dma_start3A_354 = arith.constant 0 : i32
    %dma_start3A_355 = arith.constant 0 : i32
    %dma_start3A_356 = tpu.memref_slice %arg4[%add3A_343, %dma_start3A_353, %select_n3A_324, %dma_start3A_354, %dma_start3A_355] : memref<200x8x32x8x128xf32, #tpu.memory_space<hbm>> -> memref<1x8x1x8x128xf32, #tpu.memory_space<hbm>>
    %dma_start3A_357 = tpu.memref_squeeze %dma_start3A_356 : memref<1x8x1x8x128xf32, #tpu.memory_space<hbm>> -> memref<8x8x128xf32, #tpu.memory_space<hbm>>
    %dma_start3A_358 = arith.constant 0 : i32
    %dma_start3A_359 = arith.constant 0 : i32
    %dma_start3A_360 = arith.constant 0 : i32
    %dma_start3A_361 = tpu.memref_slice %arg9[%dma_start3A_358, %dma_start3A_359, %dma_start3A_360] : memref<8x8x129xf32, #tpu.memory_space<vmem>> -> memref<8x8x128xf32, #tpu.memory_space<vmem>>
    tpu.enqueue_dma source(%dma_start3A_361 : memref<8x8x128xf32, #tpu.memory_space<vmem>>) target(%dma_start3A_357 : memref<8x8x128xf32, #tpu.memory_space<hbm>>) target_semaphore(%arg13 : memref<!tpu.dma_semaphore, #tpu.memory_space<semaphore_mem>>)
    %add3A_362 = arith.constant 199 : i32
    %add3A_363 = arith.addi %mul3A_2, %add3A_362 : i32
    %jit3A_364 = arith.constant 256 : i32
    %div3A_365 = arith.divsi %add3A_363, %jit3A_364 : i32
    %sign3A_366 = arith.constant 0 : i32
    %sign3A_367 = arith.cmpi sgt, %add3A_363, %sign3A_366 : i32
    %sign3A_368 = arith.extui %sign3A_367 : i1 to i32
    %sign3A_369 = arith.constant 0 : i32
    %sign3A_370 = arith.cmpi slt, %add3A_363, %sign3A_369 : i32
    %sign3A_371 = arith.extui %sign3A_370 : i1 to i32
    %sign3A_372 = arith.subi %sign3A_368, %sign3A_371 : i32
    %sign3A_373 = arith.constant 0 : i32
    %sign3A_374 = arith.cmpi sgt, %jit3A_364, %sign3A_373 : i32
    %sign3A_375 = arith.extui %sign3A_374 : i1 to i32
    %sign3A_376 = arith.constant 0 : i32
    %sign3A_377 = arith.cmpi slt, %jit3A_364, %sign3A_376 : i32
    %sign3A_378 = arith.extui %sign3A_377 : i1 to i32
    %sign3A_379 = arith.subi %sign3A_375, %sign3A_378 : i32
    %ne3A_380 = arith.cmpi ne, %sign3A_372, %sign3A_379 : i32
    %rem3A_381 = arith.remsi %add3A_363, %jit3A_364 : i32
    %ne3A_382 = arith.constant 0 : i32
    %ne3A_383 = arith.cmpi ne, %rem3A_381, %ne3A_382 : i32
    %and3A_384 = arith.andi %ne3A_380, %ne3A_383 : i1
    %sub3A_385 = arith.constant 1 : i32
    %sub3A_386 = arith.subi %div3A_365, %sub3A_385 : i32
    %select_n3A_387 = arith.select %and3A_384, %sub3A_386, %div3A_365 : i32
    %jit3A_388 = arith.constant 8 : i32
    %div3A_389 = arith.divsi %add3A_363, %jit3A_388 : i32
    %sign3A_390 = arith.constant 0 : i32
    %sign3A_391 = arith.cmpi sgt, %add3A_363, %sign3A_390 : i32
    %sign3A_392 = arith.extui %sign3A_391 : i1 to i32
    %sign3A_393 = arith.constant 0 : i32
    %sign3A_394 = arith.cmpi slt, %add3A_363, %sign3A_393 : i32
    %sign3A_395 = arith.extui %sign3A_394 : i1 to i32
    %sign3A_396 = arith.subi %sign3A_392, %sign3A_395 : i32
    %sign3A_397 = arith.constant 0 : i32
    %sign3A_398 = arith.cmpi sgt, %jit3A_388, %sign3A_397 : i32
    %sign3A_399 = arith.extui %sign3A_398 : i1 to i32
    %sign3A_400 = arith.constant 0 : i32
    %sign3A_401 = arith.cmpi slt, %jit3A_388, %sign3A_400 : i32
    %sign3A_402 = arith.extui %sign3A_401 : i1 to i32
    %sign3A_403 = arith.subi %sign3A_399, %sign3A_402 : i32
    %ne3A_404 = arith.cmpi ne, %sign3A_396, %sign3A_403 : i32
    %rem3A_405 = arith.remsi %add3A_363, %jit3A_388 : i32
    %ne3A_406 = arith.constant 0 : i32
    %ne3A_407 = arith.cmpi ne, %rem3A_405, %ne3A_406 : i32
    %and3A_408 = arith.andi %ne3A_404, %ne3A_407 : i1
    %sub3A_409 = arith.constant 1 : i32
    %sub3A_410 = arith.subi %div3A_389, %sub3A_409 : i32
    %select_n3A_411 = arith.select %and3A_408, %sub3A_410, %div3A_389 : i32
    %jit3A_412 = arith.constant 32 : i32
    %eq3A_413 = arith.constant 0 : i32
    %eq3A_414 = arith.cmpi eq, %jit3A_412, %eq3A_413 : i32
    %jit3A_415 = arith.constant 1 : i32
    %select_n3A_416 = arith.select %eq3A_414, %jit3A_415, %jit3A_412 : i32
    %rem3A_417 = arith.remsi %select_n3A_411, %select_n3A_416 : i32
    %ne3A_418 = arith.constant 0 : i32
    %ne3A_419 = arith.cmpi ne, %rem3A_417, %ne3A_418 : i32
    %lt3A_420 = arith.constant 0 : i32
    %lt3A_421 = arith.cmpi slt, %rem3A_417, %lt3A_420 : i32
    %lt3A_422 = arith.constant 0 : i32
    %lt3A_423 = arith.cmpi slt, %select_n3A_416, %lt3A_422 : i32
    %ne3A_424 = arith.xori %lt3A_421, %lt3A_423 : i1
    %and3A_425 = arith.andi %ne3A_424, %ne3A_419 : i1
    %add3A_426 = arith.addi %rem3A_417, %select_n3A_416 : i32
    %select_n3A_427 = arith.select %and3A_425, %add3A_426, %rem3A_417 : i32
    %jit3A_428 = arith.constant 8 : i32
    %eq3A_429 = arith.constant 0 : i32
    %eq3A_430 = arith.cmpi eq, %jit3A_428, %eq3A_429 : i32
    %jit3A_431 = arith.constant 1 : i32
    %select_n3A_432 = arith.select %eq3A_430, %jit3A_431, %jit3A_428 : i32
    %rem3A_433 = arith.remsi %add3A_363, %select_n3A_432 : i32
    %ne3A_434 = arith.constant 0 : i32
    %ne3A_435 = arith.cmpi ne, %rem3A_433, %ne3A_434 : i32
    %lt3A_436 = arith.constant 0 : i32
    %lt3A_437 = arith.cmpi slt, %rem3A_433, %lt3A_436 : i32
    %lt3A_438 = arith.constant 0 : i32
    %lt3A_439 = arith.cmpi slt, %select_n3A_432, %lt3A_438 : i32
    %ne3A_440 = arith.xori %lt3A_437, %lt3A_439 : i1
    %and3A_441 = arith.andi %ne3A_440, %ne3A_435 : i1
    %add3A_442 = arith.addi %rem3A_433, %select_n3A_432 : i32
    %select_n3A_443 = arith.select %and3A_441, %add3A_442, %rem3A_433 : i32
    %mul3A_444 = arith.constant 8 : i32
    %mul3A_445 = arith.muli %select_n3A_387, %mul3A_444 : i32
    %add3A_446 = arith.addi %mul3A_445, %select_n3A_443 : i32
    %dma_wait3A_447 = arith.constant 0 : i32
    %dma_wait3A_448 = arith.constant 0 : i32
    %dma_wait3A_449 = arith.constant 0 : i32
    %dma_wait3A_450 = tpu.memref_slice %arg9[%dma_wait3A_447, %dma_wait3A_448, %dma_wait3A_449] : memref<8x8x129xf32, #tpu.memory_space<vmem>> -> memref<8x8x128xf32, #tpu.memory_space<vmem>>
    %dma_wait3A_451 = arith.constant 0 : i32
    %dma_wait3A_452 = arith.constant 0 : i32
    %dma_wait3A_453 = arith.constant 0 : i32
    %dma_wait3A_454 = tpu.memref_slice %arg4[%add3A_446, %dma_wait3A_451, %select_n3A_427, %dma_wait3A_452, %dma_wait3A_453] : memref<200x8x32x8x128xf32, #tpu.memory_space<hbm>> -> memref<1x8x1x8x128xf32, #tpu.memory_space<hbm>>
    %dma_wait3A_455 = tpu.memref_squeeze %dma_wait3A_454 : memref<1x8x1x8x128xf32, #tpu.memory_space<hbm>> -> memref<8x8x128xf32, #tpu.memory_space<hbm>>
    %dma_wait3A_456 = arith.constant 0 : i32
    %dma_wait3A_457 = arith.constant 0 : i32
    %dma_wait3A_458 = arith.constant 0 : i32
    %dma_wait3A_459 = tpu.memref_slice %arg4[%add3A_446, %dma_wait3A_456, %select_n3A_427, %dma_wait3A_457, %dma_wait3A_458] : memref<200x8x32x8x128xf32, #tpu.memory_space<hbm>> -> memref<1x8x1x8x128xf32, #tpu.memory_space<hbm>>
    %dma_wait3A_460 = tpu.memref_squeeze %dma_wait3A_459 : memref<1x8x1x8x128xf32, #tpu.memory_space<hbm>> -> memref<8x8x128xf32, #tpu.memory_space<hbm>>
    %dma_wait3A_461 = arith.constant 0 : i32
    %dma_wait3A_462 = arith.constant 0 : i32
    %dma_wait3A_463 = arith.constant 0 : i32
    %dma_wait3A_464 = tpu.memref_slice %arg9[%dma_wait3A_461, %dma_wait3A_462, %dma_wait3A_463] : memref<8x8x129xf32, #tpu.memory_space<vmem>> -> memref<8x8x128xf32, #tpu.memory_space<vmem>>
    tpu.wait_dma2 semaphore(%arg13 : memref<!tpu.dma_semaphore, #tpu.memory_space<semaphore_mem>>) src(%dma_wait3A_464 : memref<8x8x128xf32, #tpu.memory_space<vmem>>) dst(%dma_wait3A_460 : memref<8x8x128xf32, #tpu.memory_space<hbm>>)
    return
  }
}

</mosaic_0001>

<sc_bundles>
// kernel: kernel.3.cloned.1.call-start
scs
__scs_entry_jumppad:
0x0: {  	(pc) =	sbr.rel $0x88, $3  }
0x1: {  	(tag) =	ssettag $0x0;
	lr =	simm.s32 $0x1  }
0x2: {  	[smem:$0x3F9F] =	sst lr;
	_ =	strace $0xD0000000  }
0x3: {  	_ = 	snop  }
0x4: {  	_ = 	snop  }
0x5: {  	_ = 	snop  }
0x6: {  	_ = 	snop  }
0x7: {  	_ = 	snop  }
__scs_overlays_trampoline_lowered:
0x8: {  	[smem:$0x3FAE] =	sst s0  }
0x9: {  	[smem:$0x3FAF] =	sst s1  }
0xa: {  	[smem:$0x3FB0] =	sst s2  }
0xb: {  	[smem:$0x3FB1] =	sst s3  }
0xc: {  	[smem:$0x3FB2] =	sst s4  }
0xd: {  	[smem:$0x3FB3] =	sst s5  }
0xe: {  	[smem:$0x3FB4] =	sst s6  }
0xf: {  	[smem:$0x3FB5] =	sst s7  }
0x10: {  	[smem:$0x3FB6] =	sst s8  }
0x11: {  	[smem:$0x3FB7] =	sst s9;
	s0 =	simm.s32 @!p0 $0x0  }
0x12: {  	s1 =	sld [smem:$0x3F9D];
	s0 =	simm.s32 @p0 $0x1  }
0x13: {  	[smem:$0x3FB8] =	sst s0;
	s0 =	simm.s32 @!p1 $0x0  }
0x14: {  	s2 =	sld [smem:$0x3F9C];
	s0 =	simm.s32 @p1 $0x1  }
0x15: {  	[smem:$0x3FB9] =	sst s0;
	s0 =	simm.s32 @!p2 $0x0  }
0x16: {  	s3 =	sld [smem:$0x3FDB];
	s0 =	simm.s32 @p2 $0x1  }
0x17: {  	s4 =	simm.s32 $0x1BF5;
	[smem:$0x3FBB] =	sst s0  }
0x18: {  	s0 =	sld [smem:$0x3F9E];
	_ =	swait.ge [sflag:s4], $0x0  }
0x19: {  	s7 =	sld [smem:$0x3F9F]  }
0x1a: {  	s8 =	sadd.s32 $0xFFFFE003, lr  }
0x1b: {  	s9 =	sadd.s32 $0xFFFFFEF7, lr;
	s5 =	simm.s32 $0xFFFFFFFF;
	p2 =	slt.u32 s8, $0xFFFFF086  }
0x1c: {  	p1 =	slt.u32 s9, $0xF7A;
	s5 =	simm.s32 @!p2 $0x0  }
0x1d: {  	s5 =	simm.s32 @p1 $0x1;
	p0 =	seq.s32 s7, s2  }
0x1e: {  	s7 =	smul.u32 @!p0 $0xF7A, s2;
	p2 =	seq.s32 @!p0 s5, $0x0  }
0x1f: {  	s9 =	smul.u32 $0xF7A, s1;
	s8 =	simm.s32 @!p0 $0x1BF5;
	p2 =	por !p2, p0  }
0x20: {  	[sflag:s8] =	ssyncset.s32 @!p0 $0xFFFFF086;
	s6 =	sadd.s32 @!p0 s3, s7;
	s7 =	simm.s32 @!p0 $0x108  }
0x21: {  	s3 =	sadd.s32 s3, s9;
	s6 =	sadd.s32 @!p0 $0x88, s6;
	s7 =	simm.s32 @p2 $0x1082  }
0x22: {  	[simem:s7], [sflag:s8] =	dma.local @!p0 [hbm:s6], $0xF7A  }
0x23: {  	s9 =	sor.u32 $0xD0000000, s2;
	s6 =	simm.s32 $0x108;
	_ =	swait.ge @!p0 [sflag:s8], $0x0  }
0x24: {  	s3 =	sadd.s32 $0x88, s3;
	s6 =	simm.s32 @!p1 $0x1082;
	[sflag:s4] =	ssyncset.s32 $0xFFFFF086  }
0x25: {  	[simem:s6], [sflag:s4] =	dma.local [hbm:s3], $0xF7A  }
0x26: {  	[smem:$0x3F9F] =	sst s1;
	(tag) =	ssettag s2;
	_ =	strace s9  }
0x27: {  	s1 =	sld [smem:$0x3FAF]  }
0x28: {  	s2 =	sld [smem:$0x3FB0]  }
0x29: {  	s4 =	sld [smem:$0x3FB2]  }
0x2a: {  	p0 =	seq.s32 s5, $0x0;
	s5 =	sld [smem:$0x3FB3]  }
0x2b: {  	s6 =	sld [smem:$0x3FB4]  }
0x2c: {  	s7 =	sld [smem:$0x3FB5]  }
0x2d: {  	s3 =	simm.s32 $0x108;
	s8 =	sld [smem:$0x3FB6]  }
0x2e: {  	s3 =	simm.s32 @!p0 $0x1082;
	s9 =	sld [smem:$0x3FB7]  }
0x2f: {  	lr =	sadd.s32 s0, s3;
	s0 =	sld [smem:$0x3FAE]  }
0x30: {  	s3 =	sld [smem:$0x3FB1]  }
0x31: {  	[smem:$0x3FBA] =	sst s10  }
0x32: {  	s10 =	sld [smem:$0x3FB8];
	_ =	sdelay $0x3  }
0x33: {  	p0 =	seq.s32 s10, $0x1;
	s10 =	sld [smem:$0x3FBA];
	_ =	sdelay $0x3  }
0x34: {  	[smem:$0x3FBA] =	sst s10  }
0x35: {  	s10 =	sld [smem:$0x3FB9];
	_ =	sdelay $0x3  }
0x36: {  	p1 =	seq.s32 s10, $0x1;
	s10 =	sld [smem:$0x3FBA];
	_ =	sdelay $0x3  }
0x37: {  	[smem:$0x3FBA] =	sst s10  }
0x38: {  	s10 =	sld [smem:$0x3FBB]  }
0x39: {  	_ = 	snop;
	(pc) =	sbr.ind lr, $3  }
0x3a: {  	_ = 	snop  }
0x3b: {  	_ = 	snop  }
0x3c: {  	p2 =	seq.s32 s10, $0x1;
	s10 =	sld [smem:$0x3FBA]  }
0x3d: {  	_ =	shalt  }
0x3e: {  	_ =	shalt  }
0x3f: {  	_ =	shalt  }
0x40: {  	_ =	shalt  }
0x41: {  	_ =	shalt  }
0x42: {  	_ =	shalt  }
0x43: {  	_ =	shalt  }
0x44: {  	_ =	shalt  }
0x45: {  	_ =	shalt  }
0x46: {  	_ =	shalt  }
0x47: {  	_ =	shalt  }
0x48: {  	_ =	shalt  }
0x49: {  	_ =	shalt  }
0x4a: {  	_ =	shalt  }
0x4b: {  	_ =	shalt  }
0x4c: {  	_ =	shalt  }
0x4d: {  	_ =	shalt  }
0x4e: {  	_ =	shalt  }
0x4f: {  	_ =	shalt  }
0x50: {  	_ =	shalt  }
0x51: {  	_ =	shalt  }
0x52: {  	_ =	shalt  }
0x53: {  	_ =	shalt  }
0x54: {  	_ =	shalt  }
0x55: {  	_ =	shalt  }
0x56: {  	_ =	shalt  }
0x57: {  	_ =	shalt  }
0x58: {  	_ =	shalt  }
0x59: {  	_ =	shalt  }
0x5a: {  	_ =	shalt  }
0x5b: {  	_ =	shalt  }
0x5c: {  	_ =	shalt  }
0x5d: {  	_ =	shalt  }
0x5e: {  	_ =	shalt  }
0x5f: {  	_ =	shalt  }
0x60: {  	_ =	shalt  }
0x61: {  	_ =	shalt  }
0x62: {  	_ =	shalt  }
0x63: {  	_ =	shalt  }
0x64: {  	_ =	shalt  }
0x65: {  	_ =	shalt  }
0x66: {  	_ =	shalt  }
0x67: {  	_ =	shalt  }
0x68: {  	_ =	shalt  }
0x69: {  	_ =	shalt  }
0x6a: {  	_ =	shalt  }
0x6b: {  	_ =	shalt  }
0x6c: {  	_ =	shalt  }
0x6d: {  	_ =	shalt  }
0x6e: {  	_ =	shalt  }
0x6f: {  	_ =	shalt  }
0x70: {  	_ =	shalt  }
0x71: {  	_ =	shalt  }
0x72: {  	_ =	shalt  }
0x73: {  	_ =	shalt  }
0x74: {  	_ =	shalt  }
0x75: {  	_ =	shalt  }
0x76: {  	_ =	shalt  }
0x77: {  	_ =	shalt  }
0x78: {  	_ =	shalt  }
0x79: {  	_ =	shalt  }
0x7a: {  	_ =	shalt  }
0x7b: {  	_ =	shalt  }
0x7c: {  	_ =	shalt  }
0x7d: {  	_ =	shalt  }
0x7e: {  	_ =	shalt  }
0x7f: {  	_ =	shalt  }
0x80: {  	_ =	shalt  }
0x81: {  	_ =	shalt  }
0x82: {  	_ =	shalt  }
0x83: {  	_ =	shalt  }
0x84: {  	_ =	shalt  }
0x85: {  	_ =	shalt  }
0x86: {  	_ =	shalt  }
0x87: {  	_ =	shalt  }
.Lfunc_end0:
.L_simem_size_0:
called_computation_lowered:
.L_overlay_start_0:
0x88: {  	s2 =	sld [smem:$0x3FD9]  }
0x89: {  	s3 =	sld [smem:$0x3FFE];
	_ =	sdelay $0x1  }
0x8a: {  	s1 =	srdreg.scid  }
0x8b: {  	s0 =	sand.u32 $0x1, s1  }
0x8c: {  	s17 =	sshll.u32 s0, $0xA;
	s2 =	sadd.s32 s3, s2  }
0x8d: {  	s2 =	sadd.s32 s2, s17  }
0x8e: {  	[smem:$0x3FC6] =	sst s2  }
0x8f: {  	_ = 	snop  }
0x90: {  	s2 =	sld [smem:$0x3FC9]  }
0x91: {  	s18 =	sld [smem:$0x3FD0];
	(tm) =	ssettm $0x1  }
0x92: {  	s4 =	sld [smem:$0x3FFB];
	_ =	sdelay $0x3  }
0x93: {  	_ =	strace s4  }
0x94: {  	s4 =	sld [smem:$0x3FFC];
	_ =	sdelay $0x3  }
0x95: {  	_ =	strace s4  }
0x96: {  	s4 =	sld [smem:$0x3FFD];
	_ =	sdelay $0x3  }
0x97: {  	_ =	strace s4  }
0x98: {  	_ =	strace $0x8FFFFFFF  }
0x99: {  	s19 =	sld [smem:$0x3FDB];
	_ =	sdelay $0x1  }
0x9a: {  	s5 =	simm.s32 $_scs_section_size  }
0x9b: {  	s6 =	simm.s32 $_size__tile_overlayer_lowered;
	s7 =	simm.s32 $_tile_overlayer_lowered  }
0x9c: {  	s22 =	simm.s32 $0x1BFF;
	s21 =	sshll.u32 s7, $0x1;
	s4 =	sadd.s32 s5, s19  }
0x9d: {  	s8 =	simm.s32 $0x0;
	s20 =	sshll.u32 s6, $0x1;
	s6 =	sadd.s32 s21, s4  }
0x9e: {  	[timem:s8], [sflag:s22] =	dma.local [hbm:s6], s20  }
0x9f: {  	_ =	swait.ge [sflag:s22], s20  }
0xa0: {  	s5 =	ssub.s32 $0x0, s20;
	[sflag:s22] =	ssyncset.done $0x0  }
0xa1: {  	[sflag:s22] =	ssyncadd.s32 s5;
	_ =	sdelay $0x1  }
0xa2: {  	s23 =	simm.s32 $0x1B8B  }
0xa3: {  	_ =	swait.ge [sflag:s23], $0x1  }
0xa4: {  	[sflag:s23] =	ssyncset.done $0x0  }
0xa5: {  	s25 =	simm.s32 $0x1B8E;
	s24 =	sld [smem:$0x3FFE];
	[sflag:s23] =	ssyncadd.s32 $0xFFFFFFFF  }
0xa6: {  	s26 =	simm.s32 $execute0_lowered;
	[smem:$0x3FD2] =	sst s25  }
0xa7: {  	s6 =	sshll.u32 s26, $0x1;
	_ =	strace $0x80000046;
	[dreg:$0x1] =	wrdreg $0xFFFFFFFF  }
0xa8: {  	s28 =	simm.s32 $_size_execute0_lowered;
	s4 =	sadd.s32 s4, s6;
	[dreg:$0x0] =	wrdreg $0x0  }
0xa9: {  	s6 =	sshll.u32 s28, $0x1;
	[dreg:$0x2] =	wrdreg s4  }
0xaa: {  	[dreg:$0x3] =	wrdreg s6  }
0xab: {  	[dreg:$0x4] =	wrdreg $0xC0  }
0xac: {  	_ =	task [dreg:s8], $0x5FFFF  }
0xad: {  	[dreg:$0x1] =	wrdreg $0xFFFFFFFF  }
0xae: {  	[dreg:$0x0] =	wrdreg $0x60  }
0xaf: {  	[dreg:$0x2] =	wrdreg s2  }
0xb0: {  	[dreg:$0x3] =	wrdreg s24  }
0xb1: {  	[dreg:$0x4] =	wrdreg s18  }
0xb2: {  	[dreg:$0x5] =	wrdreg $0x9  }
0xb3: {  	_ =	task.clear_ibuf [dreg:s8], $0x6FFFF;
	_ =	strace $0x90000046  }
0xb4: {  	s29 =	simm.s32 $0x9;
	_ =	strace $0x80000048  }
0xb5: {  	_ =	swait.ge [sflag:s29], $0x1  }
0xb6: {  	[sflag:s29] =	ssyncadd.s32 $0xFFFFFFFF  }
0xb7: {  	_ =	strace $0x90000048  }
0xb8: {  	_ =	sfence  }
0xb9: {  	s30 =	sld [smem:$0x0];
	_ =	sdelay $0x2  }
0xba: {  	s31 =	sshll.u32 s1, $0xD;
	s1 =	sshrl.u32 s1, $0x2  }
0xbb: {  	s3 =	sand.u32 $0x4000, s31;
	s1 =	sadd.s32 s1, s30  }
0xbc: {  	s0 =	sor.u32 s3, s0;
	s1 =	sshll.u32 s1, $0x11  }
0xbd: {  	s0 =	sor.u32 s1, s0  }
0xbe: {  	s0 =	sadd.s32 $0x8F2B, s0  }
0xbf: {  	[sflag:s0] =	ssyncadd.remote.s32 $0x1  }
0xc0: {  	_ =	sfence.sel $0xFFFF  }
0xc1: {  	[dreg:$0x0] =	wrdreg $0xFFFFFFFF;
	(pc) =	sbr.abs _section_cstart, $3  }
0xc2: {  	[dreg:$0x1] =	wrdreg $0xFFFFFFFF  }
0xc3: {  	_ =	task.clear_ibuf [dreg:s8], $0x2FFFF;
	_ =	strace $0x9FFFFFFF  }
0xc4: {  	(tm) =	ssettm $0x7FFFFFFF  }
0xc5: {  	_ =	shalt  }
tec
execute0_lowered:
.L_overlay_start_1:
0x0: {  	(tag) =	ssettag $0x1  }
0x1: {  	s0 =	rddreg [dreg:$0x0]  }
0x2: {  	s1 =	rddreg [dreg:$0x1]  }
0x3: {  	s2 =	rddreg [dreg:$0x2];
	s4 =	srdreg.scid  }
0x4: {  	s5 =	stileid.u32;
	s3 =	simm.s32 $0x0;
	s12 =	simm.s32 $0x6400  }
0x5: {  	s13 =	simm.s32 $0x1;
	s14 =	simm.s32 $0xA400;
	s15 =	simm.s32 $0xE400  }
0x6: {  	s16 =	simm.s32 $0x2;
	s6 =	sand.u32 $0x1, s4;
	s28 =	sshll.u32 s5, $0x1  }
0x7: {  	s17 =	simm.s32 $0x3;
	s18 =	simm.s32 $0x10600;
	s7 =	sor.u32 s6, s28  }
0x8: {  	s19 =	simm.s32 $0x4;
	s20 =	simm.s32 $0x0;
	s4 =	smul.u32 $0xC8, s7  }
0x9: {  	[smem:$0x7FF] =	sst s3;
	s6 =	ssub.s32 $0x2, s6;
	s29 =	smul.u32 $0x190000, s7  }
0xa: {  	s5 =	sadd.s32 $0xF42800, s1;
	s8 =	smul.u32 $0x6400, s7;
	s10 =	sshrl.u32 s6, $0x1  }
0xb: {  	_ =	strace $0x80000047;
	s7 =	smul.u32 $0xC80, s7;
	s6 =	ssub.s32 s6, s10  }
0xc: {  	s10 =	simm.s32 $0x5;
	s9 =	sadd.s32 $0xC7, s4;
	s1 =	sor.u32 s8, s29  }
0xd: {  	s0 =	sadd.s32 s0, s7;
	s11 =	sshll.u32 s9, $0xA;
	s9 =	sshll.u32 s9, $0x4  }
0xe: {  	v0 =	vlaneseq.u32;
	s31 =	smax.u32 s6, $0x1;
	s30 =	sand.u32 $0xFC0000, s11;
	s9 =	sand.u32 $0xF80, s9  }
0xf: {  	v0 =	vmul.u32 $0x81, v0;
	s1 =	sand.u32 $0x3E07C00, s1;
	[dreg:$0x4] =	wrdreg s0;
	s8 =	sor.u32 s9, s30  }
0x10: {  	[dreg:$0x5] =	wrdreg s31;
	s1 =	sshrl.u32 s1, $0x3;
	s8 =	sadd.s32 s8, s2  }
0x11: {  	v1 =	vadd.s32 $0x810, v0;
	v2 =	vadd.s32 $0x1020, v0;
	v3 =	vadd.s32 $0x1830, v0;
	s11 =	simm.s32 $0x80;
	s7 =	sadd.s32 s2, s1;
	s8 =	sadd.s32 $0x38000, s8  }
.LBB2_1:
0x12: {  	s0 =	rddreg [dreg:$0x4]  }
0x13: {  	[tilespmem:s3], [sflag:$0x5] =	stream.linear.gather [hbm4b:s0+s3], $0x6400, $0x38;
	[tilespmem:$0x12800] =	vst v63  }
0x14: {  	_ =	swait.ge [sflag:s10], $0x6400  }
0x15: {  	[sflag:s10] =	ssyncset.done $0x0  }
0x16: {  	[sflag:s10] =	ssyncadd.s32 $0xFFFF9C00  }
0x17: {  	[tilespmem:s12], [sflag:$0x1] =	stream.indirect.gather [hbm4b:s5+s11], $0x80, s3, s11, $0xb8;
	[tilespmem:$0x12800] =	vst v63  }
0x18: {  	_ =	swait.ge [sflag:s13], $0x4000  }
0x19: {  	[sflag:s13] =	ssyncset.done $0x0  }
0x1a: {  	s31 =	simm.s32 $0x6500;
	[sflag:s13] =	ssyncadd.s32 $0xFFFFC000  }
0x1b: {  	[tilespmem:s14], [sflag:$0x2] =	stream.indirect.gather [hbm4b:s5+s11], $0x80, s11, s11, $0xb8;
	[tilespmem:$0x12800] =	vst v63  }
0x1c: {  	v4 =	vld [tilespmem:s31+$0x80]  }
0x1d: {  	s9 =	simm.s32 $0x3  }
0x1e: {  	v5 =	vadd.s32 s9, v0;
	_ =	sdelay $0x1  }
0x1f: {  	v6 =	vld [tilespmem:s31+$0xFFFFFF00]  }
0x20: {  	v7 =	vld [tilespmem:s31+$0xFFFFFF80];
	v4 =	vmul.f32 $8.000000000e+00, v4  }
0x21: {  	s6 =	simm.s32 $0x1;
	v9 =	vadd.s32 s3, v0;
	v8 =	vld [tilespmem:s31+$0x0]  }
0x22: {  	s1 =	simm.s32 $0x2;
	v10 =	vadd.s32 s6, v0;
	[tilespmem:v5+s15+$0x0] =	vst.idx.msk $0xffff, v4  }
0x23: {  	v4 =	vadd.s32 s1, v0;
	v5 =	vld [tilespmem:s31+$0x90]  }
0x24: {  	v6 =	vmul.f32 $8.000000000e+00, v6  }
0x25: {  	v11 =	vadd.s32 s9, v1;
	v7 =	vmul.f32 $8.000000000e+00, v7  }
0x26: {  	v8 =	vmul.f32 $8.000000000e+00, v8;
	[tilespmem:v9+s15+$0x0] =	vst.idx.msk $0xffff, v6  }
0x27: {  	[tilespmem:v10+s15+$0x0] =	vst.idx.msk $0xffff, v7;
	v6 =	vld [tilespmem:s31+$0xFFFFFF10]  }
0x28: {  	v7 =	vld [tilespmem:s31+$0xFFFFFF90];
	[tilespmem:v4+s15+$0x0] =	vst.idx.msk $0xffff, v8;
	v4 =	vmul.f32 $8.000000000e+00, v5  }
0x29: {  	s21 =	simm.s32 $0x6700;
	v8 =	vadd.s32 s3, v1;
	v5 =	vld [tilespmem:s31+$0x10]  }
0x2a: {  	v9 =	vadd.s32 s6, v1;
	[tilespmem:v11+s15+$0x0] =	vst.idx.msk $0xffff, v4;
	v4 =	vld [tilespmem:s21+$0x80]  }
0x2b: {  	s23 =	simm.s32 $0x7;
	v10 =	vadd.s32 s1, v1;
	v11 =	vld [tilespmem:s31+$0xA0]  }
0x2c: {  	v13 =	vadd.s32 s23, v0;
	v12 =	vld [tilespmem:s21+$0xFFFFFF80];
	v6 =	vmul.f32 $8.000000000e+00, v6  }
0x2d: {  	s22 =	simm.s32 $0x5;
	v15 =	vadd.s32 s9, v2;
	v14 =	vld [tilespmem:s21+$0x0];
	v7 =	vmul.f32 $8.000000000e+00, v7  }
0x2e: {  	s24 =	simm.s32 $0x6;
	[tilespmem:v8+s15+$0x0] =	vst.idx.msk $0xffff, v6;
	v6 =	vld [tilespmem:s21+$0xFFFFFF00];
	v8 =	vadd.s32 s22, v0;
	v5 =	vmul.f32 $8.000000000e+00, v5  }
0x2f: {  	s25 =	simm.s32 $0x4;
	[tilespmem:v9+s15+$0x0] =	vst.idx.msk $0xffff, v7;
	v7 =	vadd.s32 s24, v0;
	v9 =	vld [tilespmem:s31+$0xFFFFFF20];
	v4 =	vmul.f32 $8.000000000e+00, v4  }
0x30: {  	[tilespmem:v10+s15+$0x0] =	vst.idx.msk $0xffff, v5;
	v5 =	vadd.s32 s25, v0;
	v10 =	vld [tilespmem:s31+$0xFFFFFFA0];
	v11 =	vmul.f32 $8.000000000e+00, v11  }
0x31: {  	v12 =	vmul.f32 $8.000000000e+00, v12;
	[tilespmem:v13+s15+$0x0] =	vst.idx.msk $0xffff, v4;
	v4 =	vadd.s32 s3, v2;
	v13 =	vld [tilespmem:s31+$0x20]  }
0x32: {  	v17 =	vadd.s32 s6, v2;
	v14 =	vmul.f32 $8.000000000e+00, v14;
	v16 =	vld [tilespmem:s21+$0x90];
	[tilespmem:v15+s15+$0x0] =	vst.idx.msk $0xffff, v11  }
0x33: {  	v6 =	vmul.f32 $8.000000000e+00, v6;
	[tilespmem:v8+s15+$0x0] =	vst.idx.msk $0xffff, v12;
	v8 =	vadd.s32 s1, v2;
	v11 =	vld [tilespmem:s31+$0xB0]  }
0x34: {  	[tilespmem:v7+s15+$0x0] =	vst.idx.msk $0xffff, v14;
	v7 =	vadd.s32 s23, v1;
	v15 =	vld [tilespmem:s21+$0xFFFFFF90];
	v9 =	vmul.f32 $8.000000000e+00, v9  }
0x35: {  	v14 =	vld [tilespmem:s21+$0x10];
	[tilespmem:v5+s15+$0x0] =	vst.idx.msk $0xffff, v6;
	v5 =	vmul.f32 $8.000000000e+00, v10;
	v10 =	vadd.s32 s9, v3  }
0x36: {  	v19 =	vadd.s32 s22, v1;
	v18 =	vld [tilespmem:s21+$0xFFFFFF10];
	[tilespmem:v4+s15+$0x0] =	vst.idx.msk $0xffff, v9;
	v9 =	vmul.f32 $8.000000000e+00, v13  }
0x37: {  	v12 =	vadd.s32 s24, v1;
	[tilespmem:v17+s15+$0x0] =	vst.idx.msk $0xffff, v5;
	v13 =	vmul.f32 $8.000000000e+00, v16;
	v6 =	vld [tilespmem:s31+$0xFFFFFF30]  }
0x38: {  	v4 =	vld [tilespmem:s31+$0xFFFFFFB0];
	[tilespmem:v8+s15+$0x0] =	vst.idx.msk $0xffff, v9;
	v11 =	vmul.f32 $8.000000000e+00, v11;
	v9 =	vadd.s32 s25, v1  }
0x39: {  	s26 =	simm.s32 $0x6900;
	v16 =	vmul.f32 $8.000000000e+00, v15;
	v8 =	vadd.s32 s3, v3;
	[tilespmem:v7+s15+$0x0] =	vst.idx.msk $0xffff, v13;
	v5 =	vld [tilespmem:s31+$0x30]  }
0x3a: {  	v15 =	vmul.f32 $8.000000000e+00, v14;
	v13 =	vld [tilespmem:s26+$0x80];
	[tilespmem:v10+s15+$0x0] =	vst.idx.msk $0xffff, v11;
	v10 =	vadd.s32 s6, v3  }
0x3b: {  	s28 =	simm.s32 $0x8;
	s29 =	simm.s32 $0xB;
	s0 =	simm.s32 $0xC;
	[tilespmem:v19+s15+$0x0] =	vst.idx.msk $0xffff, v16;
	v14 =	vmul.f32 $8.000000000e+00, v18;
	v7 =	vld [tilespmem:s21+$0xA0];
	v11 =	vadd.s32 s1, v3  }
.LBB2_2:
0x3c: {  	p0 =	slt.u32 s0, $0x7C;
	v16 =	vld [tilespmem:s26+$0xFFFFFF80];
	v17 =	vadd.s32 s29, v0;
	[tilespmem:v12+s15+$0x0] =	vst.idx.msk $0xffff, v15;
	v6 =	vmul.f32 $8.000000000e+00, v6  }
0x3d: {  	s6 =	sadd.s32 $0x1, s28;
	v12 =	vld [tilespmem:s26+$0x0];
	[tilespmem:v9+s15+$0x0] =	vst.idx.msk $0xffff, v14;
	v9 =	vadd.s32 s23, v2;
	v4 =	vmul.f32 $8.000000000e+00, v4  }
0x3e: {  	s1 =	sadd.s32 $0x2, s28;
	v15 =	vadd.s32 s6, v0;
	v14 =	vld [tilespmem:s26+$0xFFFFFF00];
	[tilespmem:v8+s15+$0x0] =	vst.idx.msk $0xffff, v6;
	v5 =	vmul.f32 $8.000000000e+00, v5  }
0x3f: {  	v6 =	vadd.s32 s1, v0;
	v8 =	vmul.f32 $8.000000000e+00, v13;
	v13 =	vld [tilespmem:s21+$0xFFFFFF20];
	[tilespmem:v10+s15+$0x0] =	vst.idx.msk $0xffff, v4  }
0x40: {  	v4 =	vadd.s32 s28, v0;
	v10 =	vld [tilespmem:s21+$0xFFFFFFA0];
	v7 =	vmul.f32 $8.000000000e+00, v7;
	[tilespmem:v11+s15+$0x0] =	vst.idx.msk $0xffff, v5  }
0x41: {  	v5 =	vmul.f32 $8.000000000e+00, v16;
	[tilespmem:v17+s15+$0x0] =	vst.idx.msk $0xffff, v8;
	v8 =	vadd.s32 s25, v2;
	v11 =	vld [tilespmem:s21+$0x20]  }
0x42: {  	v17 =	vadd.s32 s22, v2;
	v12 =	vmul.f32 $8.000000000e+00, v12;
	v16 =	vld [tilespmem:s26+$0x90];
	[tilespmem:v9+s15+$0x0] =	vst.idx.msk $0xffff, v7  }
0x43: {  	v7 =	vmul.f32 $8.000000000e+00, v14;
	[tilespmem:v15+s15+$0x0] =	vst.idx.msk $0xffff, v5;
	v5 =	vadd.s32 s24, v2;
	v14 =	vld [tilespmem:s21+$0xB0]  }
0x44: {  	v18 =	vadd.s32 s29, v1;
	v15 =	vld [tilespmem:s26+$0xFFFFFF90];
	[tilespmem:v6+s15+$0x0] =	vst.idx.msk $0xffff, v12;
	v6 =	vmul.f32 $8.000000000e+00, v13  }
0x45: {  	v19 =	vadd.s32 s23, v3;
	s23 =	smov.u32 s29;
	[tilespmem:v4+s15+$0x0] =	vst.idx.msk $0xffff, v7;
	v7 =	vld [tilespmem:s26+$0x10];
	v4 =	vmul.f32 $8.000000000e+00, v10  }
0x46: {  	v21 =	vadd.s32 s6, v1;
	v20 =	vld [tilespmem:s26+$0xFFFFFF10];
	[tilespmem:v8+s15+$0x0] =	vst.idx.msk $0xffff, v6;
	v8 =	vmul.f32 $8.000000000e+00, v11  }
.Ltmp0:
0x47: {  	v12 =	vadd.s32 s1, v1;
	v10 =	vmul.f32 $8.000000000e+00, v16;
	v6 =	vld [tilespmem:s21+$0xFFFFFF30];
	[tilespmem:v17+s15+$0x0] =	vst.idx.msk $0xffff, v4;
	(pc) =	sbr.rel @p0 .LBB2_2-.Ltmp0, $4  }
0x48: {  	v9 =	vadd.s32 s28, v1;
	v4 =	vld [tilespmem:s21+$0xFFFFFFB0];
	[tilespmem:v5+s15+$0x0] =	vst.idx.msk $0xffff, v8;
	v11 =	vmul.f32 $8.000000000e+00, v14  }
0x49: {  	v8 =	vadd.s32 s25, v3;
	s25 =	smov.u32 s28;
	v16 =	vmul.f32 $8.000000000e+00, v15;
	[tilespmem:v18+s15+$0x0] =	vst.idx.msk $0xffff, v10;
	v5 =	vld [tilespmem:s21+$0x30];
	s21 =	smov.u32 s26;
	s26 =	sadd.s32 $0x200, s26  }
0x4a: {  	s28 =	smov.u32 s0;
	v10 =	vadd.s32 s22, v3;
	s22 =	smov.u32 s6;
	v13 =	vld [tilespmem:s26+$0x80];
	v15 =	vmul.f32 $8.000000000e+00, v7;
	[tilespmem:v19+s15+$0x0] =	vst.idx.msk $0xffff, v11  }
0x4b: {  	s0 =	sadd.s32 $0x4, s0;
	s29 =	sadd.s32 $0x3, s28;
	v11 =	vadd.s32 s24, v3;
	s24 =	smov.u32 s1;
	v14 =	vmul.f32 $8.000000000e+00, v20;
	[tilespmem:v21+s15+$0x0] =	vst.idx.msk $0xffff, v16;
	v7 =	vld [tilespmem:s21+$0xA0]  }
0x4c: {  	v16 =	vld [tilespmem:s26+$0xFFFFFF00]  }
0x4d: {  	v17 =	vld [tilespmem:s26+$0xFFFFFF80];
	v18 =	vadd.s32 s29, v0  }
0x4e: {  	s0 =	sadd.s32 $0x1, s28;
	v19 =	vld [tilespmem:s26+$0x0];
	v20 =	vadd.s32 s28, v0  }
0x4f: {  	s1 =	sadd.s32 $0x2, s28;
	v21 =	vadd.s32 s0, v0  }
0x50: {  	v22 =	vadd.s32 s1, v0;
	v13 =	vmul.f32 $8.000000000e+00, v13  }
0x51: {  	[tilespmem:v12+s15+$0x0] =	vst.idx.msk $0xffff, v15;
	v16 =	vmul.f32 $8.000000000e+00, v16  }
0x52: {  	[tilespmem:v18+s15+$0x0] =	vst.idx.msk $0xffff, v13;
	v23 =	vmul.f32 $8.000000000e+00, v17  }
0x53: {  	v24 =	vmul.f32 $8.000000000e+00, v19;
	v25 =	vld [tilespmem:s26+$0x90];
	[tilespmem:v20+s15+$0x0] =	vst.idx.msk $0xffff, v16  }
0x54: {  	[tilespmem:v21+s15+$0x0] =	vst.idx.msk $0xffff, v23;
	v26 =	vld [tilespmem:s26+$0xFFFFFF10]  }
0x55: {  	v6 =	vmul.f32 $8.000000000e+00, v6;
	v28 =	vadd.s32 s29, v1;
	[tilespmem:v22+s15+$0x0] =	vst.idx.msk $0xffff, v24;
	v27 =	vld [tilespmem:s26+$0xFFFFFF90]  }
0x56: {  	v30 =	vadd.s32 s28, v1;
	[tilespmem:v9+s15+$0x0] =	vst.idx.msk $0xffff, v14;
	v4 =	vmul.f32 $8.000000000e+00, v4;
	v29 =	vld [tilespmem:s26+$0x10]  }
0x57: {  	v31 =	vadd.s32 s0, v1;
	[tilespmem:v8+s15+$0x0] =	vst.idx.msk $0xffff, v6;
	v5 =	vmul.f32 $8.000000000e+00, v5  }
0x58: {  	v32 =	vld [tilespmem:s21+$0xFFFFFF20];
	[tilespmem:v10+s15+$0x0] =	vst.idx.msk $0xffff, v4;
	v4 =	vadd.s32 s1, v1;
	v33 =	vmul.f32 $8.000000000e+00, v25  }
0x59: {  	v34 =	vadd.s32 s23, v2;
	v35 =	vld [tilespmem:s21+$0xFFFFFFA0];
	[tilespmem:v11+s15+$0x0] =	vst.idx.msk $0xffff, v5;
	v5 =	vmul.f32 $8.000000000e+00, v26  }
0x5a: {  	v36 =	vadd.s32 s25, v2;
	v37 =	vld [tilespmem:s21+$0x20];
	v16 =	vmul.f32 $8.000000000e+00, v27;
	[tilespmem:v28+s15+$0x0] =	vst.idx.msk $0xffff, v33  }
0x5b: {  	v38 =	vadd.s32 s22, v2;
	v9 =	vmul.f32 $8.000000000e+00, v29;
	v12 =	vld [tilespmem:s26+$0xA0];
	[tilespmem:v30+s15+$0x0] =	vst.idx.msk $0xffff, v5  }
0x5c: {  	v39 =	vadd.s32 s24, v2;
	v5 =	vmul.f32 $8.000000000e+00, v7;
	[tilespmem:v31+s15+$0x0] =	vst.idx.msk $0xffff, v16;
	v40 =	vld [tilespmem:s26+$0xFFFFFF20]  }
0x5d: {  	v8 =	vmul.f32 $8.000000000e+00, v32;
	[tilespmem:v4+s15+$0x0] =	vst.idx.msk $0xffff, v9;
	v4 =	vadd.s32 s29, v2;
	v41 =	vld [tilespmem:s26+$0xFFFFFFA0]  }
0x5e: {  	v42 =	vadd.s32 s28, v2;
	v43 =	vld [tilespmem:s26+$0x20];
	[tilespmem:v34+s15+$0x0] =	vst.idx.msk $0xffff, v5;
	v5 =	vmul.f32 $8.000000000e+00, v35  }
0x5f: {  	v46 =	vadd.s32 s0, v2;
	v45 =	vmul.f32 $8.000000000e+00, v37;
	[tilespmem:v36+s15+$0x0] =	vst.idx.msk $0xffff, v8;
	v44 =	vld [tilespmem:s21+$0xB0]  }
0x60: {  	v48 =	vadd.s32 s1, v2;
	v47 =	vld [tilespmem:s21+$0xFFFFFF30];
	[tilespmem:v38+s15+$0x0] =	vst.idx.msk $0xffff, v5;
	v5 =	vmul.f32 $8.000000000e+00, v12  }
0x61: {  	v49 =	vadd.s32 s23, v3;
	[tilespmem:v39+s15+$0x0] =	vst.idx.msk $0xffff, v45;
	v50 =	vld [tilespmem:s21+$0xFFFFFFB0];
	v6 =	vmul.f32 $8.000000000e+00, v40  }
0x62: {  	v51 =	vadd.s32 s25, v3;
	v8 =	vld [tilespmem:s21+$0x30];
	[tilespmem:v4+s15+$0x0] =	vst.idx.msk $0xffff, v5;
	v4 =	vmul.f32 $8.000000000e+00, v41  }
0x63: {  	v5 =	vadd.s32 s22, v3;
	v53 =	vmul.f32 $8.000000000e+00, v43;
	v52 =	vld [tilespmem:s26+$0xB0];
	[tilespmem:v42+s15+$0x0] =	vst.idx.msk $0xffff, v6  }
0x64: {  	v55 =	vadd.s32 s24, v3;
	v54 =	vmul.f32 $8.000000000e+00, v44;
	[tilespmem:v46+s15+$0x0] =	vst.idx.msk $0xffff, v4;
	v56 =	vld [tilespmem:s26+$0xFFFFFF30]  }
0x65: {  	v57 =	vadd.s32 s29, v3;
	v4 =	vmul.f32 $8.000000000e+00, v47;
	[tilespmem:v48+s15+$0x0] =	vst.idx.msk $0xffff, v53;
	v58 =	vld [tilespmem:s26+$0xFFFFFFB0]  }
0x66: {  	v60 =	vadd.s32 s28, v3;
	v61 =	vld [tilespmem:s26+$0x30];
	[tilespmem:v49+s15+$0x0] =	vst.idx.msk $0xffff, v54;
	v59 =	vmul.f32 $8.000000000e+00, v50  }
0x67: {  	v62 =	vadd.s32 s0, v3;
	[tilespmem:v51+s15+$0x0] =	vst.idx.msk $0xffff, v4;
	v4 =	vmul.f32 $8.000000000e+00, v8  }
0x68: {  	v63 =	vadd.s32 s1, v3;
	[tilespmem:v5+s15+$0x0] =	vst.idx.msk $0xffff, v59;
	v5 =	vmul.f32 $8.000000000e+00, v52  }
0x69: {  	[tilespmem:v55+s15+$0x0] =	vst.idx.msk $0xffff, v4;
	v4 =	vmul.f32 $8.000000000e+00, v56  }
0x6a: {  	[tilespmem:v57+s15+$0x0] =	vst.idx.msk $0xffff, v5;
	v5 =	vmul.f32 $8.000000000e+00, v58  }
0x6b: {  	[tilespmem:v60+s15+$0x0] =	vst.idx.msk $0xffff, v4;
	v4 =	vmul.f32 $8.000000000e+00, v61  }
0x6c: {  	[tilespmem:v62+s15+$0x0] =	vst.idx.msk $0xffff, v5  }
0x6d: {  	s31 =	simm.s32 $0xE400;
	s21 =	simm.s32 $0x0;
	[tilespmem:v63+s15+$0x0] =	vst.idx.msk $0xffff, v4  }
0x6e: {  	[hbm4b:s7+s21] =	stream.linear.scatter [tilespmem:s31], [sflag:$0x3], $0x80, $0x38;
	[tilespmem:$0x12800] =	vst v63  }
0x6f: {  	s6 =	sadd.s32 $0x10, s7;
	s1 =	simm.s32 $0xE488  }
0x70: {  	[hbm4b:s6+s21] =	stream.linear.scatter [tilespmem:s1], [sflag:$0x3], $0x80, $0x38;
	[tilespmem:$0x12800] =	vst v63  }
0x71: {  	s9 =	simm.s32 $0xE510;
	s23 =	simm.s32 $0xE598;
	s22 =	sadd.s32 $0x20, s7  }
0x72: {  	[hbm4b:s22+s21] =	stream.linear.scatter [tilespmem:s9], [sflag:$0x3], $0x80, $0x38;
	[tilespmem:$0x12800] =	vst v63  }
0x73: {  	s24 =	sadd.s32 $0x30, s7;
	s25 =	simm.s32 $0xE620;
	s28 =	simm.s32 $0xE6A8  }
0x74: {  	[hbm4b:s24+s21] =	stream.linear.scatter [tilespmem:s23], [sflag:$0x3], $0x80, $0x38;
	[tilespmem:$0x12800] =	vst v63  }
0x75: {  	s30 =	simm.s32 $0xE730;
	s0 =	simm.s32 $0x440;
	s26 =	sadd.s32 $0x40, s7  }
0x76: {  	[hbm4b:s26+s21] =	stream.linear.scatter [tilespmem:s25], [sflag:$0x3], $0x80, $0x38;
	[tilespmem:$0x12800] =	vst v63  }
0x77: {  	s29 =	sadd.s32 $0x50, s7;
	s31 =	sadd.s32 $0x60, s7;
	s6 =	simm.s32 $0x2200  }
0x78: {  	[hbm4b:s29+s21] =	stream.linear.scatter [tilespmem:s28], [sflag:$0x3], $0x80, $0x38;
	[tilespmem:$0x12800] =	vst v63  }
0x79: {  	s1 =	sadd.s32 $0x1000, s7;
	s9 =	simm.s32 $0xE7B8;
	s22 =	sadd.s32 $0x70, s7  }
0x7a: {  	[hbm4b:s31+s21] =	stream.linear.scatter [tilespmem:s30], [sflag:$0x3], $0x80, $0x38;
	[tilespmem:$0x12800] =	vst v63  }
.LBB2_4:
0x7b: {  	[hbm4b:s22+s21] =	stream.linear.scatter [tilespmem:s9], [sflag:$0x3], $0x80, $0x38;
	[tilespmem:$0x12800] =	vst v63  }
0x7c: {  	s9 =	smov.u32 s0;
	s0 =	smov.u32 s6  }
0x7d: {  	s23 =	sadd.s32 $0x1100, s6;
	s0 =	sshra.s32 s0, $0x2;
	s22 =	sadd.s32 $0xE400, s9  }
0x7e: {  	[hbm4b:s1+s21] =	stream.linear.scatter [tilespmem:s22], [sflag:$0x3], $0x80, $0x38;
	[tilespmem:$0x12800] =	vst v63  }
0x7f: {  	p0 =	sne.s32 s6, $0x7700;
	s6 =	sadd.s32 $0xE488, s9;
	s22 =	sadd.s32 $0x10, s1  }
0x80: {  	[hbm4b:s22+s21] =	stream.linear.scatter [tilespmem:s6], [sflag:$0x3], $0x80, $0x38;
	[tilespmem:$0x12800] =	vst v63  }
0x81: {  	s6 =	sadd.s32 $0xE510, s9;
	s22 =	sadd.s32 $0x20, s1  }
0x82: {  	[hbm4b:s22+s21] =	stream.linear.scatter [tilespmem:s6], [sflag:$0x3], $0x80, $0x38;
	[tilespmem:$0x12800] =	vst v63  }
0x83: {  	s6 =	sadd.s32 $0xE598, s9;
	s22 =	sadd.s32 $0x30, s1  }
0x84: {  	[hbm4b:s22+s21] =	stream.linear.scatter [tilespmem:s6], [sflag:$0x3], $0x80, $0x38;
	[tilespmem:$0x12800] =	vst v63  }
0x85: {  	s6 =	sadd.s32 $0xE620, s9;
	s22 =	sadd.s32 $0x40, s1  }
0x86: {  	[hbm4b:s22+s21] =	stream.linear.scatter [tilespmem:s6], [sflag:$0x3], $0x80, $0x38;
	[tilespmem:$0x12800] =	vst v63  }
.Ltmp1:
0x87: {  	s6 =	sadd.s32 $0xE6A8, s9;
	s22 =	sadd.s32 $0x50, s1;
	(pc) =	sbr.rel @p0 .LBB2_4-.Ltmp1, $4  }
0x88: {  	[hbm4b:s22+s21] =	stream.linear.scatter [tilespmem:s6], [sflag:$0x3], $0x80, $0x38;
	[tilespmem:$0x12800] =	vst v63  }
0x89: {  	s6 =	sadd.s32 $0xE730, s9;
	s22 =	sadd.s32 $0x60, s1;
	s9 =	sadd.s32 $0xE7B8, s9  }
0x8a: {  	[hbm4b:s22+s21] =	stream.linear.scatter [tilespmem:s6], [sflag:$0x3], $0x80, $0x38;
	[tilespmem:$0x12800] =	vst v63  }
0x8b: {  	s22 =	sadd.s32 $0x70, s1;
	s1 =	sadd.s32 $0x1000, s1;
	s6 =	smov.u32 s23  }
0x8c: {  	[hbm4b:s22+s21] =	stream.linear.scatter [tilespmem:s9], [sflag:$0x3], $0x80, $0x38;
	[tilespmem:$0x12800] =	vst v63  }
0x8d: {  	s6 =	sadd.s32 $0xE400, s0  }
0x8e: {  	[hbm4b:s1+s21] =	stream.linear.scatter [tilespmem:s6], [sflag:$0x3], $0x80, $0x38;
	[tilespmem:$0x12800] =	vst v63  }
0x8f: {  	s28 =	sadd.s32 $0xE488, s0;
	s29 =	sadd.s32 $0x10, s1  }
0x90: {  	[hbm4b:s29+s21] =	stream.linear.scatter [tilespmem:s28], [sflag:$0x3], $0x80, $0x38;
	[tilespmem:$0x12800] =	vst v63  }
0x91: {  	s30 =	sadd.s32 $0xE510, s0;
	s31 =	sadd.s32 $0x20, s1  }
0x92: {  	[hbm4b:s31+s21] =	stream.linear.scatter [tilespmem:s30], [sflag:$0x3], $0x80, $0x38;
	[tilespmem:$0x12800] =	vst v63  }
0x93: {  	s9 =	sadd.s32 $0xE598, s0;
	s22 =	sadd.s32 $0x30, s1  }
0x94: {  	[hbm4b:s22+s21] =	stream.linear.scatter [tilespmem:s9], [sflag:$0x3], $0x80, $0x38;
	[tilespmem:$0x12800] =	vst v63  }
0x95: {  	s23 =	sadd.s32 $0xE620, s0;
	s24 =	sadd.s32 $0x40, s1  }
0x96: {  	[hbm4b:s24+s21] =	stream.linear.scatter [tilespmem:s23], [sflag:$0x3], $0x80, $0x38;
	[tilespmem:$0x12800] =	vst v63  }
0x97: {  	s25 =	sadd.s32 $0xE6A8, s0;
	s26 =	sadd.s32 $0x50, s1  }
0x98: {  	[hbm4b:s26+s21] =	stream.linear.scatter [tilespmem:s25], [sflag:$0x3], $0x80, $0x38;
	[tilespmem:$0x12800] =	vst v63  }
0x99: {  	s28 =	sadd.s32 $0xE730, s0;
	s29 =	sadd.s32 $0x60, s1  }
0x9a: {  	[hbm4b:s29+s21] =	stream.linear.scatter [tilespmem:s28], [sflag:$0x3], $0x80, $0x38;
	[tilespmem:$0x12800] =	vst v63  }
0x9b: {  	s30 =	sadd.s32 $0xE7B8, s0;
	s31 =	sadd.s32 $0x70, s1  }
0x9c: {  	[hbm4b:s31+s21] =	stream.linear.scatter [tilespmem:s30], [sflag:$0x3], $0x80, $0x38;
	[tilespmem:$0x12800] =	vst v63  }
.LBB2_6:
0x9d: {  	s23 =	sshll.u32 s21, $0x1  }
0x9e: {  	_ =	swait.ge [sflag:s16], $0x4000;
	s22 =	sadd.s32 $0x2, s23  }
0x9f: {  	[sflag:s16] =	ssyncset.done $0x0;
	s0 =	sshll.u32 s22, $0x7  }
0xa0: {  	[sflag:s16] =	ssyncadd.s32 $0xFFFFC000;
	s0 =	sand.u32 $0x3FFFFF00, s0  }
0xa1: {  	[tilespmem:s12], [sflag:$0x1] =	stream.indirect.gather [hbm4b:s5+s11], $0x80, s0, s11, $0xb8;
	[tilespmem:$0x12800] =	vst v63  }
0xa2: {  	_ =	swait.ge [sflag:s17], $0x2000  }
0xa3: {  	[sflag:s17] =	ssyncset.done $0x0  }
0xa4: {  	s0 =	simm.s32 $0xA500;
	[sflag:s17] =	ssyncadd.s32 $0xFFFFE000  }
0xa5: {  	v4 =	vld [tilespmem:s0+$0x80]  }
0xa6: {  	s9 =	simm.s32 $0x3  }
0xa7: {  	v5 =	vadd.s32 s9, v0;
	_ =	sdelay $0x1  }
0xa8: {  	v6 =	vld [tilespmem:s0+$0xFFFFFF00]  }
0xa9: {  	s31 =	simm.s32 $0x0;
	v7 =	vld [tilespmem:s0+$0xFFFFFF80];
	v4 =	vmul.f32 $8.000000000e+00, v4  }
0xaa: {  	s1 =	simm.s32 $0x1;
	v9 =	vadd.s32 s31, v0;
	v8 =	vld [tilespmem:s0+$0x0]  }
0xab: {  	s6 =	simm.s32 $0x2;
	v10 =	vadd.s32 s1, v0;
	[tilespmem:v5+s18+$0x0] =	vst.idx.msk $0xffff, v4  }
0xac: {  	v4 =	vadd.s32 s6, v0;
	v5 =	vld [tilespmem:s0+$0x90]  }
0xad: {  	v6 =	vmul.f32 $8.000000000e+00, v6  }
0xae: {  	v11 =	vadd.s32 s9, v1;
	v7 =	vmul.f32 $8.000000000e+00, v7  }
0xaf: {  	v8 =	vmul.f32 $8.000000000e+00, v8;
	[tilespmem:v9+s18+$0x0] =	vst.idx.msk $0xffff, v6  }
0xb0: {  	[tilespmem:v10+s18+$0x0] =	vst.idx.msk $0xffff, v7;
	v6 =	vld [tilespmem:s0+$0xFFFFFF10]  }
0xb1: {  	v7 =	vld [tilespmem:s0+$0xFFFFFF90];
	[tilespmem:v4+s18+$0x0] =	vst.idx.msk $0xffff, v8;
	v4 =	vmul.f32 $8.000000000e+00, v5  }
0xb2: {  	s24 =	simm.s32 $0xA700;
	v8 =	vadd.s32 s31, v1;
	v5 =	vld [tilespmem:s0+$0x10]  }
0xb3: {  	v9 =	vadd.s32 s1, v1;
	[tilespmem:v11+s18+$0x0] =	vst.idx.msk $0xffff, v4;
	v4 =	vld [tilespmem:s24+$0x80]  }
0xb4: {  	s26 =	simm.s32 $0x7;
	v10 =	vadd.s32 s6, v1;
	v11 =	vld [tilespmem:s0+$0xA0]  }
0xb5: {  	v13 =	vadd.s32 s26, v0;
	v12 =	vld [tilespmem:s24+$0xFFFFFF80];
	v6 =	vmul.f32 $8.000000000e+00, v6  }
0xb6: {  	s25 =	simm.s32 $0x5;
	v15 =	vadd.s32 s9, v2;
	v14 =	vld [tilespmem:s24+$0x0];
	v7 =	vmul.f32 $8.000000000e+00, v7  }
0xb7: {  	s28 =	simm.s32 $0x6;
	[tilespmem:v8+s18+$0x0] =	vst.idx.msk $0xffff, v6;
	v6 =	vld [tilespmem:s24+$0xFFFFFF00];
	v8 =	vadd.s32 s25, v0;
	v5 =	vmul.f32 $8.000000000e+00, v5  }
0xb8: {  	s29 =	simm.s32 $0x4;
	[tilespmem:v9+s18+$0x0] =	vst.idx.msk $0xffff, v7;
	v7 =	vadd.s32 s28, v0;
	v9 =	vld [tilespmem:s0+$0xFFFFFF20];
	v4 =	vmul.f32 $8.000000000e+00, v4  }
0xb9: {  	[tilespmem:v10+s18+$0x0] =	vst.idx.msk $0xffff, v5;
	v5 =	vadd.s32 s29, v0;
	v10 =	vld [tilespmem:s0+$0xFFFFFFA0];
	v11 =	vmul.f32 $8.000000000e+00, v11  }
0xba: {  	v12 =	vmul.f32 $8.000000000e+00, v12;
	[tilespmem:v13+s18+$0x0] =	vst.idx.msk $0xffff, v4;
	v4 =	vadd.s32 s31, v2;
	v13 =	vld [tilespmem:s0+$0x20]  }
0xbb: {  	v17 =	vadd.s32 s1, v2;
	v14 =	vmul.f32 $8.000000000e+00, v14;
	v16 =	vld [tilespmem:s24+$0x90];
	[tilespmem:v15+s18+$0x0] =	vst.idx.msk $0xffff, v11  }
0xbc: {  	v6 =	vmul.f32 $8.000000000e+00, v6;
	[tilespmem:v8+s18+$0x0] =	vst.idx.msk $0xffff, v12;
	v8 =	vadd.s32 s6, v2;
	v11 =	vld [tilespmem:s0+$0xB0]  }
0xbd: {  	[tilespmem:v7+s18+$0x0] =	vst.idx.msk $0xffff, v14;
	v7 =	vadd.s32 s26, v1;
	v15 =	vld [tilespmem:s24+$0xFFFFFF90];
	v9 =	vmul.f32 $8.000000000e+00, v9  }
0xbe: {  	v14 =	vld [tilespmem:s24+$0x10];
	[tilespmem:v5+s18+$0x0] =	vst.idx.msk $0xffff, v6;
	v5 =	vmul.f32 $8.000000000e+00, v10;
	v10 =	vadd.s32 s9, v3  }
0xbf: {  	v19 =	vadd.s32 s25, v1;
	v18 =	vld [tilespmem:s24+$0xFFFFFF10];
	[tilespmem:v4+s18+$0x0] =	vst.idx.msk $0xffff, v9;
	v9 =	vmul.f32 $8.000000000e+00, v13  }
0xc0: {  	v12 =	vadd.s32 s28, v1;
	[tilespmem:v17+s18+$0x0] =	vst.idx.msk $0xffff, v5;
	v13 =	vmul.f32 $8.000000000e+00, v16;
	v6 =	vld [tilespmem:s0+$0xFFFFFF30]  }
0xc1: {  	v4 =	vld [tilespmem:s0+$0xFFFFFFB0];
	[tilespmem:v8+s18+$0x0] =	vst.idx.msk $0xffff, v9;
	v11 =	vmul.f32 $8.000000000e+00, v11;
	v9 =	vadd.s32 s29, v1  }
0xc2: {  	s30 =	simm.s32 $0xA900;
	v16 =	vmul.f32 $8.000000000e+00, v15;
	v8 =	vadd.s32 s31, v3;
	[tilespmem:v7+s18+$0x0] =	vst.idx.msk $0xffff, v13;
	v5 =	vld [tilespmem:s0+$0x30]  }
0xc3: {  	v15 =	vmul.f32 $8.000000000e+00, v14;
	v13 =	vld [tilespmem:s30+$0x80];
	[tilespmem:v10+s18+$0x0] =	vst.idx.msk $0xffff, v11;
	v10 =	vadd.s32 s1, v3  }
0xc4: {  	s31 =	simm.s32 $0x8;
	s0 =	simm.s32 $0xB;
	[tilespmem:v19+s18+$0x0] =	vst.idx.msk $0xffff, v16;
	s1 =	simm.s32 $0xC;
	v14 =	vmul.f32 $8.000000000e+00, v18;
	v7 =	vld [tilespmem:s24+$0xA0];
	v11 =	vadd.s32 s6, v3  }
.LBB2_7:
0xc5: {  	p0 =	slt.u32 s1, $0x7C;
	v16 =	vld [tilespmem:s30+$0xFFFFFF80];
	v17 =	vadd.s32 s0, v0;
	[tilespmem:v12+s18+$0x0] =	vst.idx.msk $0xffff, v15;
	v6 =	vmul.f32 $8.000000000e+00, v6  }
0xc6: {  	s9 =	sadd.s32 $0x1, s31;
	v12 =	vld [tilespmem:s30+$0x0];
	[tilespmem:v9+s18+$0x0] =	vst.idx.msk $0xffff, v14;
	v9 =	vadd.s32 s26, v2;
	v4 =	vmul.f32 $8.000000000e+00, v4  }
0xc7: {  	s6 =	sadd.s32 $0x2, s31;
	v15 =	vadd.s32 s9, v0;
	v14 =	vld [tilespmem:s30+$0xFFFFFF00];
	[tilespmem:v8+s18+$0x0] =	vst.idx.msk $0xffff, v6;
	v5 =	vmul.f32 $8.000000000e+00, v5  }
0xc8: {  	v6 =	vadd.s32 s6, v0;
	v8 =	vmul.f32 $8.000000000e+00, v13;
	v13 =	vld [tilespmem:s24+$0xFFFFFF20];
	[tilespmem:v10+s18+$0x0] =	vst.idx.msk $0xffff, v4  }
0xc9: {  	v4 =	vadd.s32 s31, v0;
	v10 =	vld [tilespmem:s24+$0xFFFFFFA0];
	v7 =	vmul.f32 $8.000000000e+00, v7;
	[tilespmem:v11+s18+$0x0] =	vst.idx.msk $0xffff, v5  }
0xca: {  	v5 =	vmul.f32 $8.000000000e+00, v16;
	[tilespmem:v17+s18+$0x0] =	vst.idx.msk $0xffff, v8;
	v8 =	vadd.s32 s29, v2;
	v11 =	vld [tilespmem:s24+$0x20]  }
0xcb: {  	v17 =	vadd.s32 s25, v2;
	v12 =	vmul.f32 $8.000000000e+00, v12;
	v16 =	vld [tilespmem:s30+$0x90];
	[tilespmem:v9+s18+$0x0] =	vst.idx.msk $0xffff, v7  }
0xcc: {  	v7 =	vmul.f32 $8.000000000e+00, v14;
	[tilespmem:v15+s18+$0x0] =	vst.idx.msk $0xffff, v5;
	v5 =	vadd.s32 s28, v2;
	v14 =	vld [tilespmem:s24+$0xB0]  }
0xcd: {  	v18 =	vadd.s32 s0, v1;
	v15 =	vld [tilespmem:s30+$0xFFFFFF90];
	[tilespmem:v6+s18+$0x0] =	vst.idx.msk $0xffff, v12;
	v6 =	vmul.f32 $8.000000000e+00, v13  }
0xce: {  	v19 =	vadd.s32 s26, v3;
	s26 =	smov.u32 s0;
	[tilespmem:v4+s18+$0x0] =	vst.idx.msk $0xffff, v7;
	v7 =	vld [tilespmem:s30+$0x10];
	v4 =	vmul.f32 $8.000000000e+00, v10  }
0xcf: {  	v21 =	vadd.s32 s9, v1;
	v20 =	vld [tilespmem:s30+$0xFFFFFF10];
	[tilespmem:v8+s18+$0x0] =	vst.idx.msk $0xffff, v6;
	v8 =	vmul.f32 $8.000000000e+00, v11  }
.Ltmp2:
0xd0: {  	v12 =	vadd.s32 s6, v1;
	v10 =	vmul.f32 $8.000000000e+00, v16;
	v6 =	vld [tilespmem:s24+$0xFFFFFF30];
	[tilespmem:v17+s18+$0x0] =	vst.idx.msk $0xffff, v4;
	(pc) =	sbr.rel @p0 .LBB2_7-.Ltmp2, $4  }
0xd1: {  	v9 =	vadd.s32 s31, v1;
	v4 =	vld [tilespmem:s24+$0xFFFFFFB0];
	[tilespmem:v5+s18+$0x0] =	vst.idx.msk $0xffff, v8;
	v11 =	vmul.f32 $8.000000000e+00, v14  }
0xd2: {  	v8 =	vadd.s32 s29, v3;
	s29 =	smov.u32 s31;
	v16 =	vmul.f32 $8.000000000e+00, v15;
	[tilespmem:v18+s18+$0x0] =	vst.idx.msk $0xffff, v10;
	v5 =	vld [tilespmem:s24+$0x30];
	s24 =	smov.u32 s30;
	s30 =	sadd.s32 $0x200, s30  }
0xd3: {  	s31 =	smov.u32 s1;
	v10 =	vadd.s32 s25, v3;
	s25 =	smov.u32 s9;
	v13 =	vld [tilespmem:s30+$0x80];
	v15 =	vmul.f32 $8.000000000e+00, v7;
	[tilespmem:v19+s18+$0x0] =	vst.idx.msk $0xffff, v11  }
0xd4: {  	s1 =	sadd.s32 $0x4, s1;
	s0 =	sadd.s32 $0x3, s31;
	v11 =	vadd.s32 s28, v3;
	s28 =	smov.u32 s6;
	v14 =	vmul.f32 $8.000000000e+00, v20;
	[tilespmem:v21+s18+$0x0] =	vst.idx.msk $0xffff, v16;
	v7 =	vld [tilespmem:s24+$0xA0]  }
0xd5: {  	v16 =	vld [tilespmem:s30+$0xFFFFFF00]  }
0xd6: {  	v17 =	vld [tilespmem:s30+$0xFFFFFF80];
	v18 =	vadd.s32 s0, v0  }
0xd7: {  	s1 =	sadd.s32 $0x1, s31;
	v19 =	vld [tilespmem:s30+$0x0];
	v20 =	vadd.s32 s31, v0  }
0xd8: {  	s6 =	sadd.s32 $0x2, s31;
	v21 =	vadd.s32 s1, v0  }
0xd9: {  	v22 =	vadd.s32 s6, v0;
	v13 =	vmul.f32 $8.000000000e+00, v13  }
0xda: {  	[tilespmem:v12+s18+$0x0] =	vst.idx.msk $0xffff, v15;
	v16 =	vmul.f32 $8.000000000e+00, v16  }
0xdb: {  	[tilespmem:v18+s18+$0x0] =	vst.idx.msk $0xffff, v13;
	v23 =	vmul.f32 $8.000000000e+00, v17  }
0xdc: {  	v24 =	vmul.f32 $8.000000000e+00, v19;
	v25 =	vld [tilespmem:s30+$0x90];
	[tilespmem:v20+s18+$0x0] =	vst.idx.msk $0xffff, v16  }
0xdd: {  	[tilespmem:v21+s18+$0x0] =	vst.idx.msk $0xffff, v23;
	v26 =	vld [tilespmem:s30+$0xFFFFFF10]  }
0xde: {  	v6 =	vmul.f32 $8.000000000e+00, v6;
	v28 =	vadd.s32 s0, v1;
	[tilespmem:v22+s18+$0x0] =	vst.idx.msk $0xffff, v24;
	v27 =	vld [tilespmem:s30+$0xFFFFFF90]  }
0xdf: {  	v30 =	vadd.s32 s31, v1;
	[tilespmem:v9+s18+$0x0] =	vst.idx.msk $0xffff, v14;
	v4 =	vmul.f32 $8.000000000e+00, v4;
	v29 =	vld [tilespmem:s30+$0x10]  }
0xe0: {  	v31 =	vadd.s32 s1, v1;
	[tilespmem:v8+s18+$0x0] =	vst.idx.msk $0xffff, v6;
	v5 =	vmul.f32 $8.000000000e+00, v5  }
0xe1: {  	v32 =	vld [tilespmem:s24+$0xFFFFFF20];
	[tilespmem:v10+s18+$0x0] =	vst.idx.msk $0xffff, v4;
	v4 =	vadd.s32 s6, v1;
	v33 =	vmul.f32 $8.000000000e+00, v25  }
0xe2: {  	v34 =	vadd.s32 s26, v2;
	v35 =	vld [tilespmem:s24+$0xFFFFFFA0];
	[tilespmem:v11+s18+$0x0] =	vst.idx.msk $0xffff, v5;
	v5 =	vmul.f32 $8.000000000e+00, v26  }
0xe3: {  	v36 =	vadd.s32 s29, v2;
	v37 =	vld [tilespmem:s24+$0x20];
	v16 =	vmul.f32 $8.000000000e+00, v27;
	[tilespmem:v28+s18+$0x0] =	vst.idx.msk $0xffff, v33  }
0xe4: {  	v38 =	vadd.s32 s25, v2;
	v9 =	vmul.f32 $8.000000000e+00, v29;
	v12 =	vld [tilespmem:s30+$0xA0];
	[tilespmem:v30+s18+$0x0] =	vst.idx.msk $0xffff, v5  }
0xe5: {  	v39 =	vadd.s32 s28, v2;
	v5 =	vmul.f32 $8.000000000e+00, v7;
	[tilespmem:v31+s18+$0x0] =	vst.idx.msk $0xffff, v16;
	v40 =	vld [tilespmem:s30+$0xFFFFFF20]  }
0xe6: {  	v8 =	vmul.f32 $8.000000000e+00, v32;
	[tilespmem:v4+s18+$0x0] =	vst.idx.msk $0xffff, v9;
	v4 =	vadd.s32 s0, v2;
	v41 =	vld [tilespmem:s30+$0xFFFFFFA0]  }
0xe7: {  	v42 =	vadd.s32 s31, v2;
	v43 =	vld [tilespmem:s30+$0x20];
	[tilespmem:v34+s18+$0x0] =	vst.idx.msk $0xffff, v5;
	v5 =	vmul.f32 $8.000000000e+00, v35  }
0xe8: {  	v46 =	vadd.s32 s1, v2;
	v45 =	vmul.f32 $8.000000000e+00, v37;
	[tilespmem:v36+s18+$0x0] =	vst.idx.msk $0xffff, v8;
	v44 =	vld [tilespmem:s24+$0xB0]  }
0xe9: {  	v48 =	vadd.s32 s6, v2;
	v47 =	vld [tilespmem:s24+$0xFFFFFF30];
	[tilespmem:v38+s18+$0x0] =	vst.idx.msk $0xffff, v5;
	v5 =	vmul.f32 $8.000000000e+00, v12  }
0xea: {  	v49 =	vadd.s32 s26, v3;
	[tilespmem:v39+s18+$0x0] =	vst.idx.msk $0xffff, v45;
	v50 =	vld [tilespmem:s24+$0xFFFFFFB0];
	v6 =	vmul.f32 $8.000000000e+00, v40  }
0xeb: {  	v51 =	vadd.s32 s29, v3;
	v8 =	vld [tilespmem:s24+$0x30];
	[tilespmem:v4+s18+$0x0] =	vst.idx.msk $0xffff, v5;
	v4 =	vmul.f32 $8.000000000e+00, v41  }
0xec: {  	v5 =	vadd.s32 s25, v3;
	v53 =	vmul.f32 $8.000000000e+00, v43;
	v52 =	vld [tilespmem:s30+$0xB0];
	[tilespmem:v42+s18+$0x0] =	vst.idx.msk $0xffff, v6  }
0xed: {  	v55 =	vadd.s32 s28, v3;
	v54 =	vmul.f32 $8.000000000e+00, v44;
	[tilespmem:v46+s18+$0x0] =	vst.idx.msk $0xffff, v4;
	v56 =	vld [tilespmem:s30+$0xFFFFFF30]  }
0xee: {  	v57 =	vadd.s32 s0, v3;
	v4 =	vmul.f32 $8.000000000e+00, v47;
	[tilespmem:v48+s18+$0x0] =	vst.idx.msk $0xffff, v53;
	v58 =	vld [tilespmem:s30+$0xFFFFFFB0]  }
0xef: {  	v60 =	vadd.s32 s31, v3;
	v61 =	vld [tilespmem:s30+$0x30];
	[tilespmem:v49+s18+$0x0] =	vst.idx.msk $0xffff, v54;
	v59 =	vmul.f32 $8.000000000e+00, v50  }
0xf0: {  	v62 =	vadd.s32 s1, v3;
	[tilespmem:v51+s18+$0x0] =	vst.idx.msk $0xffff, v4;
	v4 =	vmul.f32 $8.000000000e+00, v8  }
0xf1: {  	v63 =	vadd.s32 s6, v3;
	s25 =	sor.u32 $0x1, s23;
	[tilespmem:v5+s18+$0x0] =	vst.idx.msk $0xffff, v59;
	v5 =	vmul.f32 $8.000000000e+00, v52  }
0xf2: {  	s26 =	sadd.s32 s4, s25;
	[tilespmem:v55+s18+$0x0] =	vst.idx.msk $0xffff, v4;
	v4 =	vmul.f32 $8.000000000e+00, v56  }
0xf3: {  	s0 =	sshll.u32 s25, $0xF;
	s28 =	sshll.u32 s26, $0xA;
	s1 =	sshll.u32 s26, $0x4;
	[tilespmem:v57+s18+$0x0] =	vst.idx.msk $0xffff, v5;
	v5 =	vmul.f32 $8.000000000e+00, v58  }
0xf4: {  	s0 =	sand.u32 $0x38000, s0;
	s6 =	sand.u32 $0xFFC0000, s28;
	s1 =	sand.u32 $0xF80, s1;
	[tilespmem:v60+s18+$0x0] =	vst.idx.msk $0xffff, v4;
	v4 =	vmul.f32 $8.000000000e+00, v61  }
0xf5: {  	s0 =	sor.u32 s6, s0;
	s1 =	sadd.s32 s2, s1;
	[tilespmem:v62+s18+$0x0] =	vst.idx.msk $0xffff, v5  }
0xf6: {  	s29 =	simm.s32 $0x10600;
	s1 =	sadd.s32 s0, s1;
	[tilespmem:v63+s18+$0x0] =	vst.idx.msk $0xffff, v4  }
0xf7: {  	[hbm4b:s1+s3] =	stream.linear.scatter [tilespmem:s29], [sflag:$0x4], $0x80, $0x38;
	[tilespmem:$0x12800] =	vst v63  }
0xf8: {  	s30 =	simm.s32 $0x10688;
	s31 =	sadd.s32 $0x10, s1  }
0xf9: {  	[hbm4b:s31+s3] =	stream.linear.scatter [tilespmem:s30], [sflag:$0x4], $0x80, $0x38;
	[tilespmem:$0x12800] =	vst v63  }
0xfa: {  	s23 =	simm.s32 $0x10798;
	s6 =	simm.s32 $0x10710;
	s9 =	sadd.s32 $0x20, s1  }
0xfb: {  	[hbm4b:s9+s3] =	stream.linear.scatter [tilespmem:s6], [sflag:$0x4], $0x80, $0x38;
	[tilespmem:$0x12800] =	vst v63  }
0xfc: {  	s25 =	simm.s32 $0x10820;
	s28 =	simm.s32 $0x108A8;
	s24 =	sadd.s32 $0x30, s1  }
0xfd: {  	[hbm4b:s24+s3] =	stream.linear.scatter [tilespmem:s23], [sflag:$0x4], $0x80, $0x38;
	[tilespmem:$0x12800] =	vst v63  }
0xfe: {  	s0 =	simm.s32 $0x440;
	s26 =	sadd.s32 $0x40, s1;
	s29 =	sadd.s32 $0x50, s1  }
0xff: {  	[hbm4b:s26+s3] =	stream.linear.scatter [tilespmem:s25], [sflag:$0x4], $0x80, $0x38;
	[tilespmem:$0x12800] =	vst v63  }
0x100: {  	s30 =	simm.s32 $0x10930;
	s31 =	sadd.s32 $0x60, s1;
	s6 =	simm.s32 $0x2200  }
0x101: {  	[hbm4b:s29+s3] =	stream.linear.scatter [tilespmem:s28], [sflag:$0x4], $0x80, $0x38;
	[tilespmem:$0x12800] =	vst v63  }
0x102: {  	s9 =	simm.s32 $0x109B8;
	s23 =	sadd.s32 $0x70, s1;
	s1 =	sadd.s32 $0x1000, s1  }
0x103: {  	[hbm4b:s31+s3] =	stream.linear.scatter [tilespmem:s30], [sflag:$0x4], $0x80, $0x38;
	[tilespmem:$0x12800] =	vst v63  }
.LBB2_9:
0x104: {  	[hbm4b:s23+s3] =	stream.linear.scatter [tilespmem:s9], [sflag:$0x4], $0x80, $0x38;
	[tilespmem:$0x12800] =	vst v63  }
0x105: {  	s9 =	smov.u32 s0;
	s0 =	smov.u32 s6  }
0x106: {  	s24 =	sadd.s32 $0x1100, s6;
	s0 =	sshra.s32 s0, $0x2;
	s23 =	sadd.s32 $0x10600, s9  }
0x107: {  	[hbm4b:s1+s3] =	stream.linear.scatter [tilespmem:s23], [sflag:$0x4], $0x80, $0x38;
	[tilespmem:$0x12800] =	vst v63  }
0x108: {  	p0 =	sne.s32 s6, $0x7700;
	s6 =	sadd.s32 $0x10688, s9;
	s23 =	sadd.s32 $0x10, s1  }
0x109: {  	[hbm4b:s23+s3] =	stream.linear.scatter [tilespmem:s6], [sflag:$0x4], $0x80, $0x38;
	[tilespmem:$0x12800] =	vst v63  }
0x10a: {  	s6 =	sadd.s32 $0x10710, s9;
	s23 =	sadd.s32 $0x20, s1  }
0x10b: {  	[hbm4b:s23+s3] =	stream.linear.scatter [tilespmem:s6], [sflag:$0x4], $0x80, $0x38;
	[tilespmem:$0x12800] =	vst v63  }
0x10c: {  	s6 =	sadd.s32 $0x10798, s9;
	s23 =	sadd.s32 $0x30, s1  }
0x10d: {  	[hbm4b:s23+s3] =	stream.linear.scatter [tilespmem:s6], [sflag:$0x4], $0x80, $0x38;
	[tilespmem:$0x12800] =	vst v63  }
0x10e: {  	s6 =	sadd.s32 $0x10820, s9;
	s23 =	sadd.s32 $0x40, s1  }
0x10f: {  	[hbm4b:s23+s3] =	stream.linear.scatter [tilespmem:s6], [sflag:$0x4], $0x80, $0x38;
	[tilespmem:$0x12800] =	vst v63  }
.Ltmp3:
0x110: {  	s6 =	sadd.s32 $0x108A8, s9;
	s23 =	sadd.s32 $0x50, s1;
	(pc) =	sbr.rel @p0 .LBB2_9-.Ltmp3, $4  }
0x111: {  	[hbm4b:s23+s3] =	stream.linear.scatter [tilespmem:s6], [sflag:$0x4], $0x80, $0x38;
	[tilespmem:$0x12800] =	vst v63  }
0x112: {  	s6 =	sadd.s32 $0x10930, s9;
	s23 =	sadd.s32 $0x60, s1;
	s9 =	sadd.s32 $0x109B8, s9  }
0x113: {  	[hbm4b:s23+s3] =	stream.linear.scatter [tilespmem:s6], [sflag:$0x4], $0x80, $0x38;
	[tilespmem:$0x12800] =	vst v63  }
0x114: {  	s23 =	sadd.s32 $0x70, s1;
	s1 =	sadd.s32 $0x1000, s1;
	s6 =	smov.u32 s24  }
0x115: {  	[hbm4b:s23+s3] =	stream.linear.scatter [tilespmem:s9], [sflag:$0x4], $0x80, $0x38;
	[tilespmem:$0x12800] =	vst v63  }
0x116: {  	s6 =	sadd.s32 $0x10600, s0  }
0x117: {  	[hbm4b:s1+s3] =	stream.linear.scatter [tilespmem:s6], [sflag:$0x4], $0x80, $0x38;
	[tilespmem:$0x12800] =	vst v63  }
0x118: {  	s24 =	sadd.s32 $0x10688, s0;
	s25 =	sadd.s32 $0x10, s1  }
0x119: {  	[hbm4b:s25+s3] =	stream.linear.scatter [tilespmem:s24], [sflag:$0x4], $0x80, $0x38;
	[tilespmem:$0x12800] =	vst v63  }
0x11a: {  	s26 =	sadd.s32 $0x10710, s0;
	s31 =	sadd.s32 $0x20, s1  }
0x11b: {  	[hbm4b:s31+s3] =	stream.linear.scatter [tilespmem:s26], [sflag:$0x4], $0x80, $0x38;
	[tilespmem:$0x12800] =	vst v63  }
0x11c: {  	s9 =	sadd.s32 $0x10798, s0;
	s23 =	sadd.s32 $0x30, s1  }
0x11d: {  	[hbm4b:s23+s3] =	stream.linear.scatter [tilespmem:s9], [sflag:$0x4], $0x80, $0x38;
	[tilespmem:$0x12800] =	vst v63  }
0x11e: {  	s24 =	sadd.s32 $0x10820, s0;
	s25 =	sadd.s32 $0x40, s1  }
0x11f: {  	[hbm4b:s25+s3] =	stream.linear.scatter [tilespmem:s24], [sflag:$0x4], $0x80, $0x38;
	[tilespmem:$0x12800] =	vst v63  }
0x120: {  	s26 =	sadd.s32 $0x108A8, s0;
	s31 =	sadd.s32 $0x50, s1  }
0x121: {  	[hbm4b:s31+s3] =	stream.linear.scatter [tilespmem:s26], [sflag:$0x4], $0x80, $0x38;
	[tilespmem:$0x12800] =	vst v63  }
0x122: {  	s23 =	sadd.s32 $0x10930, s0;
	s24 =	sadd.s32 $0x60, s1  }
0x123: {  	[hbm4b:s24+s3] =	stream.linear.scatter [tilespmem:s23], [sflag:$0x4], $0x80, $0x38;
	[tilespmem:$0x12800] =	vst v63  }
0x124: {  	s25 =	sadd.s32 $0x109B8, s0;
	s26 =	sadd.s32 $0x70, s1  }
0x125: {  	[hbm4b:s26+s3] =	stream.linear.scatter [tilespmem:s25], [sflag:$0x4], $0x80, $0x38;
	[tilespmem:$0x12800] =	vst v63  }
0x126: {  	s31 =	sshll.u32 s21, $0x8;
	_ =	swait.ge [sflag:s13], $0x4000  }
0x127: {  	s0 =	sand.u32 $0x3FFFFF00, s31;
	[sflag:s13] =	ssyncset.done $0x0  }
0x128: {  	s0 =	sadd.s32 $0x180, s0;
	[sflag:s13] =	ssyncadd.s32 $0xFFFFC000  }
0x129: {  	[tilespmem:s14], [sflag:$0x2] =	stream.indirect.gather [hbm4b:s5+s11], $0x80, s0, s11, $0xb8;
	[tilespmem:$0x12800] =	vst v63  }
0x12a: {  	_ =	swait.ge [sflag:s19], $0x2000  }
0x12b: {  	[sflag:s19] =	ssyncset.done $0x0  }
0x12c: {  	s0 =	simm.s32 $0x6500;
	[sflag:s19] =	ssyncadd.s32 $0xFFFFE000  }
0x12d: {  	v4 =	vld [tilespmem:s0+$0x80]  }
0x12e: {  	s1 =	simm.s32 $0x3  }
0x12f: {  	v5 =	vadd.s32 s1, v0;
	_ =	sdelay $0x1  }
0x130: {  	v6 =	vld [tilespmem:s0+$0xFFFFFF00]  }
0x131: {  	s30 =	simm.s32 $0x0;
	v7 =	vld [tilespmem:s0+$0xFFFFFF80];
	v4 =	vmul.f32 $8.000000000e+00, v4  }
0x132: {  	v9 =	vadd.s32 s30, v0;
	s6 =	simm.s32 $0x1;
	v8 =	vld [tilespmem:s0+$0x0]  }
0x133: {  	v10 =	vadd.s32 s6, v0;
	s31 =	simm.s32 $0x2;
	[tilespmem:v5+s15+$0x0] =	vst.idx.msk $0xffff, v4  }
0x134: {  	v4 =	vadd.s32 s31, v0;
	v5 =	vld [tilespmem:s0+$0x90]  }
0x135: {  	v6 =	vmul.f32 $8.000000000e+00, v6  }
0x136: {  	v11 =	vadd.s32 s1, v1;
	v7 =	vmul.f32 $8.000000000e+00, v7  }
0x137: {  	v8 =	vmul.f32 $8.000000000e+00, v8;
	[tilespmem:v9+s15+$0x0] =	vst.idx.msk $0xffff, v6  }
0x138: {  	[tilespmem:v10+s15+$0x0] =	vst.idx.msk $0xffff, v7;
	v6 =	vld [tilespmem:s0+$0xFFFFFF10]  }
0x139: {  	v7 =	vld [tilespmem:s0+$0xFFFFFF90];
	[tilespmem:v4+s15+$0x0] =	vst.idx.msk $0xffff, v8;
	v4 =	vmul.f32 $8.000000000e+00, v5  }
0x13a: {  	s23 =	simm.s32 $0x6700;
	v8 =	vadd.s32 s30, v1;
	v5 =	vld [tilespmem:s0+$0x10]  }
0x13b: {  	v9 =	vadd.s32 s6, v1;
	[tilespmem:v11+s15+$0x0] =	vst.idx.msk $0xffff, v4;
	v4 =	vld [tilespmem:s23+$0x80]  }
0x13c: {  	s25 =	simm.s32 $0x7;
	v10 =	vadd.s32 s31, v1;
	v11 =	vld [tilespmem:s0+$0xA0]  }
0x13d: {  	v13 =	vadd.s32 s25, v0;
	v12 =	vld [tilespmem:s23+$0xFFFFFF80];
	v6 =	vmul.f32 $8.000000000e+00, v6  }
0x13e: {  	v15 =	vadd.s32 s1, v2;
	s24 =	simm.s32 $0x5;
	v14 =	vld [tilespmem:s23+$0x0];
	v7 =	vmul.f32 $8.000000000e+00, v7  }
0x13f: {  	s26 =	simm.s32 $0x6;
	[tilespmem:v8+s15+$0x0] =	vst.idx.msk $0xffff, v6;
	v6 =	vld [tilespmem:s23+$0xFFFFFF00];
	v8 =	vadd.s32 s24, v0;
	v5 =	vmul.f32 $8.000000000e+00, v5  }
0x140: {  	s28 =	simm.s32 $0x4;
	[tilespmem:v9+s15+$0x0] =	vst.idx.msk $0xffff, v7;
	v7 =	vadd.s32 s26, v0;
	v9 =	vld [tilespmem:s0+$0xFFFFFF20];
	v4 =	vmul.f32 $8.000000000e+00, v4  }
0x141: {  	[tilespmem:v10+s15+$0x0] =	vst.idx.msk $0xffff, v5;
	v5 =	vadd.s32 s28, v0;
	v10 =	vld [tilespmem:s0+$0xFFFFFFA0];
	v11 =	vmul.f32 $8.000000000e+00, v11  }
0x142: {  	v12 =	vmul.f32 $8.000000000e+00, v12;
	[tilespmem:v13+s15+$0x0] =	vst.idx.msk $0xffff, v4;
	v4 =	vadd.s32 s30, v2;
	v13 =	vld [tilespmem:s0+$0x20]  }
0x143: {  	v17 =	vadd.s32 s6, v2;
	v14 =	vmul.f32 $8.000000000e+00, v14;
	v16 =	vld [tilespmem:s23+$0x90];
	[tilespmem:v15+s15+$0x0] =	vst.idx.msk $0xffff, v11  }
0x144: {  	v6 =	vmul.f32 $8.000000000e+00, v6;
	[tilespmem:v8+s15+$0x0] =	vst.idx.msk $0xffff, v12;
	v8 =	vadd.s32 s31, v2;
	v11 =	vld [tilespmem:s0+$0xB0]  }
0x145: {  	[tilespmem:v7+s15+$0x0] =	vst.idx.msk $0xffff, v14;
	v7 =	vadd.s32 s25, v1;
	v15 =	vld [tilespmem:s23+$0xFFFFFF90];
	v9 =	vmul.f32 $8.000000000e+00, v9  }
0x146: {  	v14 =	vld [tilespmem:s23+$0x10];
	[tilespmem:v5+s15+$0x0] =	vst.idx.msk $0xffff, v6;
	v5 =	vmul.f32 $8.000000000e+00, v10;
	v10 =	vadd.s32 s1, v3  }
0x147: {  	v19 =	vadd.s32 s24, v1;
	v18 =	vld [tilespmem:s23+$0xFFFFFF10];
	[tilespmem:v4+s15+$0x0] =	vst.idx.msk $0xffff, v9;
	v9 =	vmul.f32 $8.000000000e+00, v13  }
0x148: {  	v12 =	vadd.s32 s26, v1;
	[tilespmem:v17+s15+$0x0] =	vst.idx.msk $0xffff, v5;
	v13 =	vmul.f32 $8.000000000e+00, v16;
	v6 =	vld [tilespmem:s0+$0xFFFFFF30]  }
0x149: {  	v4 =	vld [tilespmem:s0+$0xFFFFFFB0];
	[tilespmem:v8+s15+$0x0] =	vst.idx.msk $0xffff, v9;
	v11 =	vmul.f32 $8.000000000e+00, v11;
	v9 =	vadd.s32 s28, v1  }
0x14a: {  	s29 =	simm.s32 $0x6900;
	v16 =	vmul.f32 $8.000000000e+00, v15;
	v8 =	vadd.s32 s30, v3;
	[tilespmem:v7+s15+$0x0] =	vst.idx.msk $0xffff, v13;
	v5 =	vld [tilespmem:s0+$0x30]  }
0x14b: {  	v15 =	vmul.f32 $8.000000000e+00, v14;
	v13 =	vld [tilespmem:s29+$0x80];
	[tilespmem:v10+s15+$0x0] =	vst.idx.msk $0xffff, v11;
	v10 =	vadd.s32 s6, v3  }
0x14c: {  	s1 =	simm.s32 $0xC;
	s30 =	simm.s32 $0x8;
	s0 =	simm.s32 $0xB;
	[tilespmem:v19+s15+$0x0] =	vst.idx.msk $0xffff, v16;
	v14 =	vmul.f32 $8.000000000e+00, v18;
	v7 =	vld [tilespmem:s23+$0xA0];
	v11 =	vadd.s32 s31, v3  }
.LBB2_11:
0x14d: {  	p0 =	slt.u32 s1, $0x7C;
	v16 =	vld [tilespmem:s29+$0xFFFFFF80];
	v17 =	vadd.s32 s0, v0;
	[tilespmem:v12+s15+$0x0] =	vst.idx.msk $0xffff, v15;
	v6 =	vmul.f32 $8.000000000e+00, v6  }
0x14e: {  	s9 =	sadd.s32 $0x1, s30;
	v12 =	vld [tilespmem:s29+$0x0];
	[tilespmem:v9+s15+$0x0] =	vst.idx.msk $0xffff, v14;
	v9 =	vadd.s32 s25, v2;
	v4 =	vmul.f32 $8.000000000e+00, v4  }
0x14f: {  	s6 =	sadd.s32 $0x2, s30;
	v15 =	vadd.s32 s9, v0;
	v14 =	vld [tilespmem:s29+$0xFFFFFF00];
	[tilespmem:v8+s15+$0x0] =	vst.idx.msk $0xffff, v6;
	v5 =	vmul.f32 $8.000000000e+00, v5  }
0x150: {  	v6 =	vadd.s32 s6, v0;
	v8 =	vmul.f32 $8.000000000e+00, v13;
	v13 =	vld [tilespmem:s23+$0xFFFFFF20];
	[tilespmem:v10+s15+$0x0] =	vst.idx.msk $0xffff, v4  }
0x151: {  	v4 =	vadd.s32 s30, v0;
	v10 =	vld [tilespmem:s23+$0xFFFFFFA0];
	v7 =	vmul.f32 $8.000000000e+00, v7;
	[tilespmem:v11+s15+$0x0] =	vst.idx.msk $0xffff, v5  }
0x152: {  	v5 =	vmul.f32 $8.000000000e+00, v16;
	[tilespmem:v17+s15+$0x0] =	vst.idx.msk $0xffff, v8;
	v8 =	vadd.s32 s28, v2;
	v11 =	vld [tilespmem:s23+$0x20]  }
0x153: {  	v17 =	vadd.s32 s24, v2;
	v12 =	vmul.f32 $8.000000000e+00, v12;
	v16 =	vld [tilespmem:s29+$0x90];
	[tilespmem:v9+s15+$0x0] =	vst.idx.msk $0xffff, v7  }
0x154: {  	v7 =	vmul.f32 $8.000000000e+00, v14;
	[tilespmem:v15+s15+$0x0] =	vst.idx.msk $0xffff, v5;
	v5 =	vadd.s32 s26, v2;
	v14 =	vld [tilespmem:s23+$0xB0]  }
0x155: {  	v18 =	vadd.s32 s0, v1;
	v15 =	vld [tilespmem:s29+$0xFFFFFF90];
	[tilespmem:v6+s15+$0x0] =	vst.idx.msk $0xffff, v12;
	v6 =	vmul.f32 $8.000000000e+00, v13  }
0x156: {  	v19 =	vadd.s32 s25, v3;
	s25 =	smov.u32 s0;
	[tilespmem:v4+s15+$0x0] =	vst.idx.msk $0xffff, v7;
	v7 =	vld [tilespmem:s29+$0x10];
	v4 =	vmul.f32 $8.000000000e+00, v10  }
0x157: {  	v21 =	vadd.s32 s9, v1;
	v20 =	vld [tilespmem:s29+$0xFFFFFF10];
	[tilespmem:v8+s15+$0x0] =	vst.idx.msk $0xffff, v6;
	v8 =	vmul.f32 $8.000000000e+00, v11  }
.Ltmp4:
0x158: {  	v12 =	vadd.s32 s6, v1;
	v10 =	vmul.f32 $8.000000000e+00, v16;
	v6 =	vld [tilespmem:s23+$0xFFFFFF30];
	[tilespmem:v17+s15+$0x0] =	vst.idx.msk $0xffff, v4;
	(pc) =	sbr.rel @p0 .LBB2_11-.Ltmp4, $4  }
0x159: {  	v9 =	vadd.s32 s30, v1;
	v4 =	vld [tilespmem:s23+$0xFFFFFFB0];
	[tilespmem:v5+s15+$0x0] =	vst.idx.msk $0xffff, v8;
	v11 =	vmul.f32 $8.000000000e+00, v14  }
0x15a: {  	v8 =	vadd.s32 s28, v3;
	s28 =	smov.u32 s30;
	v16 =	vmul.f32 $8.000000000e+00, v15;
	[tilespmem:v18+s15+$0x0] =	vst.idx.msk $0xffff, v10;
	v5 =	vld [tilespmem:s23+$0x30];
	s23 =	smov.u32 s29;
	s29 =	sadd.s32 $0x200, s29  }
0x15b: {  	s30 =	smov.u32 s1;
	v10 =	vadd.s32 s24, v3;
	s24 =	smov.u32 s9;
	v13 =	vld [tilespmem:s29+$0x80];
	v15 =	vmul.f32 $8.000000000e+00, v7;
	[tilespmem:v19+s15+$0x0] =	vst.idx.msk $0xffff, v11  }
0x15c: {  	s1 =	sadd.s32 $0x4, s1;
	s0 =	sadd.s32 $0x3, s30;
	v11 =	vadd.s32 s26, v3;
	s26 =	smov.u32 s6;
	v14 =	vmul.f32 $8.000000000e+00, v20;
	[tilespmem:v21+s15+$0x0] =	vst.idx.msk $0xffff, v16;
	v7 =	vld [tilespmem:s23+$0xA0]  }
0x15d: {  	v16 =	vld [tilespmem:s29+$0xFFFFFF00]  }
0x15e: {  	v17 =	vld [tilespmem:s29+$0xFFFFFF80];
	v18 =	vadd.s32 s0, v0  }
0x15f: {  	s1 =	sadd.s32 $0x1, s30;
	v19 =	vld [tilespmem:s29+$0x0];
	v20 =	vadd.s32 s30, v0  }
0x160: {  	s6 =	sadd.s32 $0x2, s30;
	v21 =	vadd.s32 s1, v0  }
0x161: {  	v22 =	vadd.s32 s6, v0;
	v13 =	vmul.f32 $8.000000000e+00, v13  }
0x162: {  	[tilespmem:v12+s15+$0x0] =	vst.idx.msk $0xffff, v15;
	v16 =	vmul.f32 $8.000000000e+00, v16  }
0x163: {  	[tilespmem:v18+s15+$0x0] =	vst.idx.msk $0xffff, v13;
	v23 =	vmul.f32 $8.000000000e+00, v17  }
0x164: {  	v24 =	vmul.f32 $8.000000000e+00, v19;
	v25 =	vld [tilespmem:s29+$0x90];
	[tilespmem:v20+s15+$0x0] =	vst.idx.msk $0xffff, v16  }
0x165: {  	[tilespmem:v21+s15+$0x0] =	vst.idx.msk $0xffff, v23;
	v26 =	vld [tilespmem:s29+$0xFFFFFF10]  }
0x166: {  	v6 =	vmul.f32 $8.000000000e+00, v6;
	v28 =	vadd.s32 s0, v1;
	[tilespmem:v22+s15+$0x0] =	vst.idx.msk $0xffff, v24;
	v27 =	vld [tilespmem:s29+$0xFFFFFF90]  }
0x167: {  	v30 =	vadd.s32 s30, v1;
	[tilespmem:v9+s15+$0x0] =	vst.idx.msk $0xffff, v14;
	v4 =	vmul.f32 $8.000000000e+00, v4;
	v29 =	vld [tilespmem:s29+$0x10]  }
0x168: {  	v31 =	vadd.s32 s1, v1;
	[tilespmem:v8+s15+$0x0] =	vst.idx.msk $0xffff, v6;
	v5 =	vmul.f32 $8.000000000e+00, v5  }
0x169: {  	v32 =	vld [tilespmem:s23+$0xFFFFFF20];
	[tilespmem:v10+s15+$0x0] =	vst.idx.msk $0xffff, v4;
	v4 =	vadd.s32 s6, v1;
	v33 =	vmul.f32 $8.000000000e+00, v25  }
0x16a: {  	v34 =	vadd.s32 s25, v2;
	v35 =	vld [tilespmem:s23+$0xFFFFFFA0];
	[tilespmem:v11+s15+$0x0] =	vst.idx.msk $0xffff, v5;
	v5 =	vmul.f32 $8.000000000e+00, v26  }
0x16b: {  	v36 =	vadd.s32 s28, v2;
	v37 =	vld [tilespmem:s23+$0x20];
	v16 =	vmul.f32 $8.000000000e+00, v27;
	[tilespmem:v28+s15+$0x0] =	vst.idx.msk $0xffff, v33  }
0x16c: {  	v38 =	vadd.s32 s24, v2;
	v9 =	vmul.f32 $8.000000000e+00, v29;
	v12 =	vld [tilespmem:s29+$0xA0];
	[tilespmem:v30+s15+$0x0] =	vst.idx.msk $0xffff, v5  }
0x16d: {  	v39 =	vadd.s32 s26, v2;
	v5 =	vmul.f32 $8.000000000e+00, v7;
	[tilespmem:v31+s15+$0x0] =	vst.idx.msk $0xffff, v16;
	v40 =	vld [tilespmem:s29+$0xFFFFFF20]  }
0x16e: {  	v8 =	vmul.f32 $8.000000000e+00, v32;
	[tilespmem:v4+s15+$0x0] =	vst.idx.msk $0xffff, v9;
	v4 =	vadd.s32 s0, v2;
	v41 =	vld [tilespmem:s29+$0xFFFFFFA0]  }
0x16f: {  	v42 =	vadd.s32 s30, v2;
	v43 =	vld [tilespmem:s29+$0x20];
	[tilespmem:v34+s15+$0x0] =	vst.idx.msk $0xffff, v5;
	v5 =	vmul.f32 $8.000000000e+00, v35  }
0x170: {  	v46 =	vadd.s32 s1, v2;
	v45 =	vmul.f32 $8.000000000e+00, v37;
	[tilespmem:v36+s15+$0x0] =	vst.idx.msk $0xffff, v8;
	v44 =	vld [tilespmem:s23+$0xB0]  }
0x171: {  	v48 =	vadd.s32 s6, v2;
	v47 =	vld [tilespmem:s23+$0xFFFFFF30];
	[tilespmem:v38+s15+$0x0] =	vst.idx.msk $0xffff, v5;
	v5 =	vmul.f32 $8.000000000e+00, v12  }
0x172: {  	v49 =	vadd.s32 s25, v3;
	[tilespmem:v39+s15+$0x0] =	vst.idx.msk $0xffff, v45;
	v50 =	vld [tilespmem:s23+$0xFFFFFFB0];
	v6 =	vmul.f32 $8.000000000e+00, v40  }
0x173: {  	v51 =	vadd.s32 s28, v3;
	v8 =	vld [tilespmem:s23+$0x30];
	[tilespmem:v4+s15+$0x0] =	vst.idx.msk $0xffff, v5;
	v4 =	vmul.f32 $8.000000000e+00, v41  }
0x174: {  	v5 =	vadd.s32 s24, v3;
	v53 =	vmul.f32 $8.000000000e+00, v43;
	v52 =	vld [tilespmem:s29+$0xB0];
	[tilespmem:v42+s15+$0x0] =	vst.idx.msk $0xffff, v6  }
0x175: {  	v55 =	vadd.s32 s26, v3;
	v54 =	vmul.f32 $8.000000000e+00, v44;
	[tilespmem:v46+s15+$0x0] =	vst.idx.msk $0xffff, v4;
	v56 =	vld [tilespmem:s29+$0xFFFFFF30]  }
0x176: {  	v57 =	vadd.s32 s0, v3;
	v4 =	vmul.f32 $8.000000000e+00, v47;
	[tilespmem:v48+s15+$0x0] =	vst.idx.msk $0xffff, v53;
	v58 =	vld [tilespmem:s29+$0xFFFFFFB0]  }
0x177: {  	v60 =	vadd.s32 s30, v3;
	v61 =	vld [tilespmem:s29+$0x30];
	[tilespmem:v49+s15+$0x0] =	vst.idx.msk $0xffff, v54;
	v59 =	vmul.f32 $8.000000000e+00, v50  }
0x178: {  	v62 =	vadd.s32 s1, v3;
	[tilespmem:v51+s15+$0x0] =	vst.idx.msk $0xffff, v4;
	v4 =	vmul.f32 $8.000000000e+00, v8  }
0x179: {  	v63 =	vadd.s32 s6, v3;
	[tilespmem:v5+s15+$0x0] =	vst.idx.msk $0xffff, v59;
	v5 =	vmul.f32 $8.000000000e+00, v52  }
0x17a: {  	s25 =	sadd.s32 s4, s22;
	[tilespmem:v55+s15+$0x0] =	vst.idx.msk $0xffff, v4;
	v4 =	vmul.f32 $8.000000000e+00, v56  }
0x17b: {  	s28 =	sshll.u32 s22, $0xF;
	s26 =	sshll.u32 s25, $0xA;
	s0 =	sshll.u32 s25, $0x4;
	[tilespmem:v57+s15+$0x0] =	vst.idx.msk $0xffff, v5;
	v5 =	vmul.f32 $8.000000000e+00, v58  }
0x17c: {  	s1 =	sand.u32 $0xFFC0000, s26;
	s6 =	sand.u32 $0x30000, s28;
	s0 =	sand.u32 $0xF80, s0;
	[tilespmem:v60+s15+$0x0] =	vst.idx.msk $0xffff, v4;
	v4 =	vmul.f32 $8.000000000e+00, v61  }
0x17d: {  	s1 =	sor.u32 s1, s6;
	s0 =	sadd.s32 s2, s0;
	[tilespmem:v62+s15+$0x0] =	vst.idx.msk $0xffff, v5  }
0x17e: {  	s1 =	sadd.s32 s1, s0;
	s29 =	simm.s32 $0xE400;
	[tilespmem:v63+s15+$0x0] =	vst.idx.msk $0xffff, v4  }
0x17f: {  	[hbm4b:s1+s3] =	stream.linear.scatter [tilespmem:s29], [sflag:$0x3], $0x80, $0x38;
	[tilespmem:$0x12800] =	vst v63  }
0x180: {  	s30 =	simm.s32 $0xE488;
	s31 =	sadd.s32 $0x10, s1  }
0x181: {  	[hbm4b:s31+s3] =	stream.linear.scatter [tilespmem:s30], [sflag:$0x3], $0x80, $0x38;
	[tilespmem:$0x12800] =	vst v63  }
0x182: {  	s9 =	simm.s32 $0xE510;
	s28 =	simm.s32 $0xE6A8;
	s22 =	sadd.s32 $0x20, s1  }
0x183: {  	[hbm4b:s22+s3] =	stream.linear.scatter [tilespmem:s9], [sflag:$0x3], $0x80, $0x38;
	[tilespmem:$0x12800] =	vst v63  }
0x184: {  	s6 =	simm.s32 $0x2200;
	s23 =	simm.s32 $0xE598;
	s24 =	sadd.s32 $0x30, s1  }
0x185: {  	[hbm4b:s24+s3] =	stream.linear.scatter [tilespmem:s23], [sflag:$0x3], $0x80, $0x38;
	[tilespmem:$0x12800] =	vst v63  }
0x186: {  	s25 =	simm.s32 $0xE620;
	s0 =	simm.s32 $0x440;
	s26 =	sadd.s32 $0x40, s1  }
0x187: {  	[hbm4b:s26+s3] =	stream.linear.scatter [tilespmem:s25], [sflag:$0x3], $0x80, $0x38;
	[tilespmem:$0x12800] =	vst v63  }
0x188: {  	s29 =	sadd.s32 $0x50, s1;
	s30 =	simm.s32 $0xE730;
	s31 =	sadd.s32 $0x60, s1  }
0x189: {  	[hbm4b:s29+s3] =	stream.linear.scatter [tilespmem:s28], [sflag:$0x3], $0x80, $0x38;
	[tilespmem:$0x12800] =	vst v63  }
0x18a: {  	s9 =	simm.s32 $0xE7B8;
	s22 =	sadd.s32 $0x70, s1;
	s1 =	sadd.s32 $0x1000, s1  }
0x18b: {  	[hbm4b:s31+s3] =	stream.linear.scatter [tilespmem:s30], [sflag:$0x3], $0x80, $0x38;
	[tilespmem:$0x12800] =	vst v63  }
.LBB2_13:
0x18c: {  	[hbm4b:s22+s3] =	stream.linear.scatter [tilespmem:s9], [sflag:$0x3], $0x80, $0x38;
	[tilespmem:$0x12800] =	vst v63  }
0x18d: {  	s9 =	smov.u32 s0;
	s0 =	smov.u32 s6  }
0x18e: {  	s23 =	sadd.s32 $0x1100, s6;
	s0 =	sshra.s32 s0, $0x2;
	s22 =	sadd.s32 $0xE400, s9  }
0x18f: {  	[hbm4b:s1+s3] =	stream.linear.scatter [tilespmem:s22], [sflag:$0x3], $0x80, $0x38;
	[tilespmem:$0x12800] =	vst v63  }
0x190: {  	p0 =	sne.s32 s6, $0x7700;
	s6 =	sadd.s32 $0xE488, s9;
	s22 =	sadd.s32 $0x10, s1  }
0x191: {  	[hbm4b:s22+s3] =	stream.linear.scatter [tilespmem:s6], [sflag:$0x3], $0x80, $0x38;
	[tilespmem:$0x12800] =	vst v63  }
0x192: {  	s6 =	sadd.s32 $0xE510, s9;
	s22 =	sadd.s32 $0x20, s1  }
0x193: {  	[hbm4b:s22+s3] =	stream.linear.scatter [tilespmem:s6], [sflag:$0x3], $0x80, $0x38;
	[tilespmem:$0x12800] =	vst v63  }
0x194: {  	s6 =	sadd.s32 $0xE598, s9;
	s22 =	sadd.s32 $0x30, s1  }
0x195: {  	[hbm4b:s22+s3] =	stream.linear.scatter [tilespmem:s6], [sflag:$0x3], $0x80, $0x38;
	[tilespmem:$0x12800] =	vst v63  }
0x196: {  	s6 =	sadd.s32 $0xE620, s9;
	s22 =	sadd.s32 $0x40, s1  }
0x197: {  	[hbm4b:s22+s3] =	stream.linear.scatter [tilespmem:s6], [sflag:$0x3], $0x80, $0x38;
	[tilespmem:$0x12800] =	vst v63  }
.Ltmp5:
0x198: {  	s6 =	sadd.s32 $0xE6A8, s9;
	s22 =	sadd.s32 $0x50, s1;
	(pc) =	sbr.rel @p0 .LBB2_13-.Ltmp5, $4  }
0x199: {  	[hbm4b:s22+s3] =	stream.linear.scatter [tilespmem:s6], [sflag:$0x3], $0x80, $0x38;
	[tilespmem:$0x12800] =	vst v63  }
0x19a: {  	s6 =	sadd.s32 $0xE730, s9;
	s22 =	sadd.s32 $0x60, s1;
	s9 =	sadd.s32 $0xE7B8, s9  }
0x19b: {  	[hbm4b:s22+s3] =	stream.linear.scatter [tilespmem:s6], [sflag:$0x3], $0x80, $0x38;
	[tilespmem:$0x12800] =	vst v63  }
0x19c: {  	s22 =	sadd.s32 $0x70, s1;
	s1 =	sadd.s32 $0x1000, s1;
	s6 =	smov.u32 s23  }
0x19d: {  	[hbm4b:s22+s3] =	stream.linear.scatter [tilespmem:s9], [sflag:$0x3], $0x80, $0x38;
	[tilespmem:$0x12800] =	vst v63  }
0x19e: {  	s6 =	sadd.s32 $0xE400, s0  }
0x19f: {  	[hbm4b:s1+s3] =	stream.linear.scatter [tilespmem:s6], [sflag:$0x3], $0x80, $0x38;
	[tilespmem:$0x12800] =	vst v63  }
0x1a0: {  	s28 =	sadd.s32 $0xE488, s0;
	s29 =	sadd.s32 $0x10, s1  }
0x1a1: {  	[hbm4b:s29+s3] =	stream.linear.scatter [tilespmem:s28], [sflag:$0x3], $0x80, $0x38;
	[tilespmem:$0x12800] =	vst v63  }
0x1a2: {  	s30 =	sadd.s32 $0xE510, s0;
	s31 =	sadd.s32 $0x20, s1  }
0x1a3: {  	[hbm4b:s31+s3] =	stream.linear.scatter [tilespmem:s30], [sflag:$0x3], $0x80, $0x38;
	[tilespmem:$0x12800] =	vst v63  }
0x1a4: {  	s9 =	sadd.s32 $0xE598, s0;
	s22 =	sadd.s32 $0x30, s1  }
0x1a5: {  	[hbm4b:s22+s3] =	stream.linear.scatter [tilespmem:s9], [sflag:$0x3], $0x80, $0x38;
	[tilespmem:$0x12800] =	vst v63  }
0x1a6: {  	s23 =	sadd.s32 $0xE620, s0;
	s24 =	sadd.s32 $0x40, s1;
	s21 =	sadd.s32 $0x1, s21  }
0x1a7: {  	[hbm4b:s24+s3] =	stream.linear.scatter [tilespmem:s23], [sflag:$0x3], $0x80, $0x38;
	[tilespmem:$0x12800] =	vst v63  }
0x1a8: {  	s25 =	sadd.s32 $0xE6A8, s0;
	s26 =	sadd.s32 $0x50, s1;
	p0 =	sne.s32 s21, $0x63  }
0x1a9: {  	[hbm4b:s26+s3] =	stream.linear.scatter [tilespmem:s25], [sflag:$0x3], $0x80, $0x38;
	[tilespmem:$0x12800] =	vst v63  }
.Ltmp6:
0x1aa: {  	_ = 	snop;
	(pc) =	sbr.rel @p0 .LBB2_6-.Ltmp6, $4  }
0x1ab: {  	s28 =	sadd.s32 $0xE730, s0;
	s29 =	sadd.s32 $0x60, s1  }
0x1ac: {  	[hbm4b:s29+s3] =	stream.linear.scatter [tilespmem:s28], [sflag:$0x3], $0x80, $0x38;
	[tilespmem:$0x12800] =	vst v63  }
0x1ad: {  	s30 =	sadd.s32 $0xE7B8, s0;
	s31 =	sadd.s32 $0x70, s1  }
0x1ae: {  	[hbm4b:s31+s3] =	stream.linear.scatter [tilespmem:s30], [sflag:$0x3], $0x80, $0x38;
	[tilespmem:$0x12800] =	vst v63  }
0x1af: {  	_ =	swait.ge [sflag:s16], $0x4000  }
0x1b0: {  	[sflag:s16] =	ssyncset.done $0x0  }
0x1b1: {  	[sflag:s16] =	ssyncadd.s32 $0xFFFFC000  }
0x1b2: {  	_ =	swait.ge [sflag:s17], $0x2000  }
0x1b3: {  	[sflag:s17] =	ssyncset.done $0x0  }
0x1b4: {  	s0 =	simm.s32 $0xA500;
	[sflag:s17] =	ssyncadd.s32 $0xFFFFE000  }
0x1b5: {  	v4 =	vld [tilespmem:s0+$0x80]  }
0x1b6: {  	s9 =	simm.s32 $0x3  }
0x1b7: {  	v5 =	vadd.s32 s9, v0;
	_ =	sdelay $0x1  }
0x1b8: {  	v6 =	vld [tilespmem:s0+$0xFFFFFF00]  }
0x1b9: {  	s28 =	simm.s32 $0x0;
	v7 =	vld [tilespmem:s0+$0xFFFFFF80];
	v4 =	vmul.f32 $8.000000000e+00, v4  }
0x1ba: {  	s1 =	simm.s32 $0x1;
	v9 =	vadd.s32 s28, v0;
	v8 =	vld [tilespmem:s0+$0x0]  }
0x1bb: {  	s6 =	simm.s32 $0x2;
	v10 =	vadd.s32 s1, v0;
	[tilespmem:v5+s18+$0x0] =	vst.idx.msk $0xffff, v4  }
0x1bc: {  	v4 =	vadd.s32 s6, v0;
	v5 =	vld [tilespmem:s0+$0x90]  }
0x1bd: {  	v6 =	vmul.f32 $8.000000000e+00, v6  }
0x1be: {  	v11 =	vadd.s32 s9, v1;
	v7 =	vmul.f32 $8.000000000e+00, v7  }
0x1bf: {  	v8 =	vmul.f32 $8.000000000e+00, v8;
	[tilespmem:v9+s18+$0x0] =	vst.idx.msk $0xffff, v6  }
0x1c0: {  	[tilespmem:v10+s18+$0x0] =	vst.idx.msk $0xffff, v7;
	v6 =	vld [tilespmem:s0+$0xFFFFFF10]  }
0x1c1: {  	v7 =	vld [tilespmem:s0+$0xFFFFFF90];
	[tilespmem:v4+s18+$0x0] =	vst.idx.msk $0xffff, v8;
	v4 =	vmul.f32 $8.000000000e+00, v5  }
0x1c2: {  	s21 =	simm.s32 $0xA700;
	v8 =	vadd.s32 s28, v1;
	v5 =	vld [tilespmem:s0+$0x10]  }
0x1c3: {  	v9 =	vadd.s32 s1, v1;
	[tilespmem:v11+s18+$0x0] =	vst.idx.msk $0xffff, v4;
	v4 =	vld [tilespmem:s21+$0x80]  }
0x1c4: {  	s23 =	simm.s32 $0x7;
	v10 =	vadd.s32 s6, v1;
	v11 =	vld [tilespmem:s0+$0xA0]  }
0x1c5: {  	v13 =	vadd.s32 s23, v0;
	v12 =	vld [tilespmem:s21+$0xFFFFFF80];
	v6 =	vmul.f32 $8.000000000e+00, v6  }
0x1c6: {  	s22 =	simm.s32 $0x5;
	v15 =	vadd.s32 s9, v2;
	v14 =	vld [tilespmem:s21+$0x0];
	v7 =	vmul.f32 $8.000000000e+00, v7  }
0x1c7: {  	s24 =	simm.s32 $0x6;
	[tilespmem:v8+s18+$0x0] =	vst.idx.msk $0xffff, v6;
	v6 =	vld [tilespmem:s21+$0xFFFFFF00];
	v8 =	vadd.s32 s22, v0;
	v5 =	vmul.f32 $8.000000000e+00, v5  }
0x1c8: {  	s25 =	simm.s32 $0x4;
	[tilespmem:v9+s18+$0x0] =	vst.idx.msk $0xffff, v7;
	v7 =	vadd.s32 s24, v0;
	v9 =	vld [tilespmem:s0+$0xFFFFFF20];
	v4 =	vmul.f32 $8.000000000e+00, v4  }
0x1c9: {  	[tilespmem:v10+s18+$0x0] =	vst.idx.msk $0xffff, v5;
	v5 =	vadd.s32 s25, v0;
	v10 =	vld [tilespmem:s0+$0xFFFFFFA0];
	v11 =	vmul.f32 $8.000000000e+00, v11  }
0x1ca: {  	v12 =	vmul.f32 $8.000000000e+00, v12;
	[tilespmem:v13+s18+$0x0] =	vst.idx.msk $0xffff, v4;
	v4 =	vadd.s32 s28, v2;
	v13 =	vld [tilespmem:s0+$0x20]  }
0x1cb: {  	v17 =	vadd.s32 s1, v2;
	v14 =	vmul.f32 $8.000000000e+00, v14;
	v16 =	vld [tilespmem:s21+$0x90];
	[tilespmem:v15+s18+$0x0] =	vst.idx.msk $0xffff, v11  }
0x1cc: {  	v6 =	vmul.f32 $8.000000000e+00, v6;
	[tilespmem:v8+s18+$0x0] =	vst.idx.msk $0xffff, v12;
	v8 =	vadd.s32 s6, v2;
	v11 =	vld [tilespmem:s0+$0xB0]  }
0x1cd: {  	[tilespmem:v7+s18+$0x0] =	vst.idx.msk $0xffff, v14;
	v7 =	vadd.s32 s23, v1;
	v15 =	vld [tilespmem:s21+$0xFFFFFF90];
	v9 =	vmul.f32 $8.000000000e+00, v9  }
0x1ce: {  	v14 =	vld [tilespmem:s21+$0x10];
	[tilespmem:v5+s18+$0x0] =	vst.idx.msk $0xffff, v6;
	v5 =	vmul.f32 $8.000000000e+00, v10;
	v10 =	vadd.s32 s9, v3  }
0x1cf: {  	v19 =	vadd.s32 s22, v1;
	v18 =	vld [tilespmem:s21+$0xFFFFFF10];
	[tilespmem:v4+s18+$0x0] =	vst.idx.msk $0xffff, v9;
	v9 =	vmul.f32 $8.000000000e+00, v13  }
0x1d0: {  	v12 =	vadd.s32 s24, v1;
	[tilespmem:v17+s18+$0x0] =	vst.idx.msk $0xffff, v5;
	v13 =	vmul.f32 $8.000000000e+00, v16;
	v6 =	vld [tilespmem:s0+$0xFFFFFF30]  }
0x1d1: {  	v4 =	vld [tilespmem:s0+$0xFFFFFFB0];
	[tilespmem:v8+s18+$0x0] =	vst.idx.msk $0xffff, v9;
	v11 =	vmul.f32 $8.000000000e+00, v11;
	v9 =	vadd.s32 s25, v1  }
0x1d2: {  	s26 =	simm.s32 $0xA900;
	v16 =	vmul.f32 $8.000000000e+00, v15;
	v8 =	vadd.s32 s28, v3;
	[tilespmem:v7+s18+$0x0] =	vst.idx.msk $0xffff, v13;
	v5 =	vld [tilespmem:s0+$0x30]  }
0x1d3: {  	v15 =	vmul.f32 $8.000000000e+00, v14;
	v13 =	vld [tilespmem:s26+$0x80];
	[tilespmem:v10+s18+$0x0] =	vst.idx.msk $0xffff, v11;
	v10 =	vadd.s32 s1, v3  }
0x1d4: {  	s28 =	simm.s32 $0x8;
	s0 =	simm.s32 $0xB;
	[tilespmem:v19+s18+$0x0] =	vst.idx.msk $0xffff, v16;
	s1 =	simm.s32 $0xC;
	v14 =	vmul.f32 $8.000000000e+00, v18;
	v7 =	vld [tilespmem:s21+$0xA0];
	v11 =	vadd.s32 s6, v3  }
.LBB2_16:
0x1d5: {  	p0 =	slt.u32 s1, $0x7C;
	v16 =	vld [tilespmem:s26+$0xFFFFFF80];
	v17 =	vadd.s32 s0, v0;
	[tilespmem:v12+s18+$0x0] =	vst.idx.msk $0xffff, v15;
	v6 =	vmul.f32 $8.000000000e+00, v6  }
0x1d6: {  	s9 =	sadd.s32 $0x1, s28;
	v12 =	vld [tilespmem:s26+$0x0];
	[tilespmem:v9+s18+$0x0] =	vst.idx.msk $0xffff, v14;
	v9 =	vadd.s32 s23, v2;
	v4 =	vmul.f32 $8.000000000e+00, v4  }
0x1d7: {  	s6 =	sadd.s32 $0x2, s28;
	v15 =	vadd.s32 s9, v0;
	v14 =	vld [tilespmem:s26+$0xFFFFFF00];
	[tilespmem:v8+s18+$0x0] =	vst.idx.msk $0xffff, v6;
	v5 =	vmul.f32 $8.000000000e+00, v5  }
0x1d8: {  	v6 =	vadd.s32 s6, v0;
	v8 =	vmul.f32 $8.000000000e+00, v13;
	v13 =	vld [tilespmem:s21+$0xFFFFFF20];
	[tilespmem:v10+s18+$0x0] =	vst.idx.msk $0xffff, v4  }
0x1d9: {  	v4 =	vadd.s32 s28, v0;
	v10 =	vld [tilespmem:s21+$0xFFFFFFA0];
	v7 =	vmul.f32 $8.000000000e+00, v7;
	[tilespmem:v11+s18+$0x0] =	vst.idx.msk $0xffff, v5  }
0x1da: {  	v5 =	vmul.f32 $8.000000000e+00, v16;
	[tilespmem:v17+s18+$0x0] =	vst.idx.msk $0xffff, v8;
	v8 =	vadd.s32 s25, v2;
	v11 =	vld [tilespmem:s21+$0x20]  }
0x1db: {  	v17 =	vadd.s32 s22, v2;
	v12 =	vmul.f32 $8.000000000e+00, v12;
	v16 =	vld [tilespmem:s26+$0x90];
	[tilespmem:v9+s18+$0x0] =	vst.idx.msk $0xffff, v7  }
0x1dc: {  	v7 =	vmul.f32 $8.000000000e+00, v14;
	[tilespmem:v15+s18+$0x0] =	vst.idx.msk $0xffff, v5;
	v5 =	vadd.s32 s24, v2;
	v14 =	vld [tilespmem:s21+$0xB0]  }
0x1dd: {  	v18 =	vadd.s32 s0, v1;
	v15 =	vld [tilespmem:s26+$0xFFFFFF90];
	[tilespmem:v6+s18+$0x0] =	vst.idx.msk $0xffff, v12;
	v6 =	vmul.f32 $8.000000000e+00, v13  }
0x1de: {  	v19 =	vadd.s32 s23, v3;
	s23 =	smov.u32 s0;
	[tilespmem:v4+s18+$0x0] =	vst.idx.msk $0xffff, v7;
	v7 =	vld [tilespmem:s26+$0x10];
	v4 =	vmul.f32 $8.000000000e+00, v10  }
0x1df: {  	v21 =	vadd.s32 s9, v1;
	v20 =	vld [tilespmem:s26+$0xFFFFFF10];
	[tilespmem:v8+s18+$0x0] =	vst.idx.msk $0xffff, v6;
	v8 =	vmul.f32 $8.000000000e+00, v11  }
.Ltmp7:
0x1e0: {  	v12 =	vadd.s32 s6, v1;
	v10 =	vmul.f32 $8.000000000e+00, v16;
	v6 =	vld [tilespmem:s21+$0xFFFFFF30];
	[tilespmem:v17+s18+$0x0] =	vst.idx.msk $0xffff, v4;
	(pc) =	sbr.rel @p0 .LBB2_16-.Ltmp7, $4  }
0x1e1: {  	v9 =	vadd.s32 s28, v1;
	v4 =	vld [tilespmem:s21+$0xFFFFFFB0];
	[tilespmem:v5+s18+$0x0] =	vst.idx.msk $0xffff, v8;
	v11 =	vmul.f32 $8.000000000e+00, v14  }
0x1e2: {  	v8 =	vadd.s32 s25, v3;
	s25 =	smov.u32 s28;
	v16 =	vmul.f32 $8.000000000e+00, v15;
	[tilespmem:v18+s18+$0x0] =	vst.idx.msk $0xffff, v10;
	v5 =	vld [tilespmem:s21+$0x30];
	s21 =	smov.u32 s26;
	s26 =	sadd.s32 $0x200, s26  }
0x1e3: {  	s28 =	smov.u32 s1;
	v10 =	vadd.s32 s22, v3;
	s22 =	smov.u32 s9;
	v13 =	vld [tilespmem:s26+$0x80];
	v15 =	vmul.f32 $8.000000000e+00, v7;
	[tilespmem:v19+s18+$0x0] =	vst.idx.msk $0xffff, v11  }
0x1e4: {  	s1 =	sadd.s32 $0x4, s1;
	s0 =	sadd.s32 $0x3, s28;
	v11 =	vadd.s32 s24, v3;
	s24 =	smov.u32 s6;
	v14 =	vmul.f32 $8.000000000e+00, v20;
	[tilespmem:v21+s18+$0x0] =	vst.idx.msk $0xffff, v16;
	v7 =	vld [tilespmem:s21+$0xA0]  }
0x1e5: {  	v16 =	vld [tilespmem:s26+$0xFFFFFF00]  }
0x1e6: {  	v17 =	vld [tilespmem:s26+$0xFFFFFF80];
	v18 =	vadd.s32 s0, v0  }
0x1e7: {  	s1 =	sadd.s32 $0x1, s28;
	v19 =	vld [tilespmem:s26+$0x0];
	v20 =	vadd.s32 s28, v0  }
0x1e8: {  	s6 =	sadd.s32 $0x2, s28;
	v21 =	vadd.s32 s1, v0  }
0x1e9: {  	v22 =	vadd.s32 s6, v0;
	v13 =	vmul.f32 $8.000000000e+00, v13  }
0x1ea: {  	[tilespmem:v12+s18+$0x0] =	vst.idx.msk $0xffff, v15;
	v16 =	vmul.f32 $8.000000000e+00, v16  }
0x1eb: {  	[tilespmem:v18+s18+$0x0] =	vst.idx.msk $0xffff, v13;
	v23 =	vmul.f32 $8.000000000e+00, v17  }
0x1ec: {  	v24 =	vmul.f32 $8.000000000e+00, v19;
	v25 =	vld [tilespmem:s26+$0x90];
	[tilespmem:v20+s18+$0x0] =	vst.idx.msk $0xffff, v16  }
0x1ed: {  	[tilespmem:v21+s18+$0x0] =	vst.idx.msk $0xffff, v23;
	v26 =	vld [tilespmem:s26+$0xFFFFFF10]  }
0x1ee: {  	v6 =	vmul.f32 $8.000000000e+00, v6;
	v28 =	vadd.s32 s0, v1;
	[tilespmem:v22+s18+$0x0] =	vst.idx.msk $0xffff, v24;
	v27 =	vld [tilespmem:s26+$0xFFFFFF90]  }
0x1ef: {  	v30 =	vadd.s32 s28, v1;
	[tilespmem:v9+s18+$0x0] =	vst.idx.msk $0xffff, v14;
	v4 =	vmul.f32 $8.000000000e+00, v4;
	v29 =	vld [tilespmem:s26+$0x10]  }
0x1f0: {  	v31 =	vadd.s32 s1, v1;
	[tilespmem:v8+s18+$0x0] =	vst.idx.msk $0xffff, v6;
	v5 =	vmul.f32 $8.000000000e+00, v5  }
0x1f1: {  	v32 =	vld [tilespmem:s21+$0xFFFFFF20];
	[tilespmem:v10+s18+$0x0] =	vst.idx.msk $0xffff, v4;
	v4 =	vadd.s32 s6, v1;
	v33 =	vmul.f32 $8.000000000e+00, v25  }
0x1f2: {  	v34 =	vadd.s32 s23, v2;
	v35 =	vld [tilespmem:s21+$0xFFFFFFA0];
	[tilespmem:v11+s18+$0x0] =	vst.idx.msk $0xffff, v5;
	v5 =	vmul.f32 $8.000000000e+00, v26  }
0x1f3: {  	v36 =	vadd.s32 s25, v2;
	v37 =	vld [tilespmem:s21+$0x20];
	v16 =	vmul.f32 $8.000000000e+00, v27;
	[tilespmem:v28+s18+$0x0] =	vst.idx.msk $0xffff, v33  }
0x1f4: {  	v38 =	vadd.s32 s22, v2;
	v9 =	vmul.f32 $8.000000000e+00, v29;
	v12 =	vld [tilespmem:s26+$0xA0];
	[tilespmem:v30+s18+$0x0] =	vst.idx.msk $0xffff, v5  }
0x1f5: {  	v39 =	vadd.s32 s24, v2;
	v5 =	vmul.f32 $8.000000000e+00, v7;
	[tilespmem:v31+s18+$0x0] =	vst.idx.msk $0xffff, v16;
	v40 =	vld [tilespmem:s26+$0xFFFFFF20]  }
0x1f6: {  	v8 =	vmul.f32 $8.000000000e+00, v32;
	[tilespmem:v4+s18+$0x0] =	vst.idx.msk $0xffff, v9;
	v4 =	vadd.s32 s0, v2;
	v41 =	vld [tilespmem:s26+$0xFFFFFFA0]  }
0x1f7: {  	v42 =	vadd.s32 s28, v2;
	v43 =	vld [tilespmem:s26+$0x20];
	[tilespmem:v34+s18+$0x0] =	vst.idx.msk $0xffff, v5;
	v5 =	vmul.f32 $8.000000000e+00, v35  }
0x1f8: {  	v46 =	vadd.s32 s1, v2;
	v45 =	vmul.f32 $8.000000000e+00, v37;
	[tilespmem:v36+s18+$0x0] =	vst.idx.msk $0xffff, v8;
	v44 =	vld [tilespmem:s21+$0xB0]  }
0x1f9: {  	v48 =	vadd.s32 s6, v2;
	v47 =	vld [tilespmem:s21+$0xFFFFFF30];
	[tilespmem:v38+s18+$0x0] =	vst.idx.msk $0xffff, v5;
	v5 =	vmul.f32 $8.000000000e+00, v12  }
0x1fa: {  	v49 =	vadd.s32 s23, v3;
	[tilespmem:v39+s18+$0x0] =	vst.idx.msk $0xffff, v45;
	v50 =	vld [tilespmem:s21+$0xFFFFFFB0];
	v6 =	vmul.f32 $8.000000000e+00, v40  }
0x1fb: {  	v51 =	vadd.s32 s25, v3;
	v8 =	vld [tilespmem:s21+$0x30];
	[tilespmem:v4+s18+$0x0] =	vst.idx.msk $0xffff, v5;
	v4 =	vmul.f32 $8.000000000e+00, v41  }
0x1fc: {  	v5 =	vadd.s32 s22, v3;
	v53 =	vmul.f32 $8.000000000e+00, v43;
	v52 =	vld [tilespmem:s26+$0xB0];
	[tilespmem:v42+s18+$0x0] =	vst.idx.msk $0xffff, v6  }
0x1fd: {  	v55 =	vadd.s32 s24, v3;
	v54 =	vmul.f32 $8.000000000e+00, v44;
	[tilespmem:v46+s18+$0x0] =	vst.idx.msk $0xffff, v4;
	v56 =	vld [tilespmem:s26+$0xFFFFFF30]  }
0x1fe: {  	v57 =	vadd.s32 s0, v3;
	v4 =	vmul.f32 $8.000000000e+00, v47;
	[tilespmem:v48+s18+$0x0] =	vst.idx.msk $0xffff, v53;
	v58 =	vld [tilespmem:s26+$0xFFFFFFB0]  }
0x1ff: {  	v60 =	vadd.s32 s28, v3;
	v61 =	vld [tilespmem:s26+$0x30];
	[tilespmem:v49+s18+$0x0] =	vst.idx.msk $0xffff, v54;
	v59 =	vmul.f32 $8.000000000e+00, v50  }
0x200: {  	v62 =	vadd.s32 s1, v3;
	[tilespmem:v51+s18+$0x0] =	vst.idx.msk $0xffff, v4;
	v4 =	vmul.f32 $8.000000000e+00, v8  }
0x201: {  	v63 =	vadd.s32 s6, v3;
	[tilespmem:v5+s18+$0x0] =	vst.idx.msk $0xffff, v59;
	v5 =	vmul.f32 $8.000000000e+00, v52  }
0x202: {  	[tilespmem:v55+s18+$0x0] =	vst.idx.msk $0xffff, v4;
	v4 =	vmul.f32 $8.000000000e+00, v56  }
0x203: {  	[tilespmem:v57+s18+$0x0] =	vst.idx.msk $0xffff, v5;
	v5 =	vmul.f32 $8.000000000e+00, v58  }
0x204: {  	[tilespmem:v60+s18+$0x0] =	vst.idx.msk $0xffff, v4;
	v4 =	vmul.f32 $8.000000000e+00, v61  }
0x205: {  	[tilespmem:v62+s18+$0x0] =	vst.idx.msk $0xffff, v5  }
0x206: {  	s1 =	simm.s32 $0x10600;
	[tilespmem:v63+s18+$0x0] =	vst.idx.msk $0xffff, v4  }
0x207: {  	[hbm4b:s8+s3] =	stream.linear.scatter [tilespmem:s1], [sflag:$0x4], $0x80, $0x38;
	[tilespmem:$0x12800] =	vst v63  }
0x208: {  	s9 =	sadd.s32 $0x10, s8;
	s6 =	simm.s32 $0x10688  }
0x209: {  	[hbm4b:s9+s3] =	stream.linear.scatter [tilespmem:s6], [sflag:$0x4], $0x80, $0x38;
	[tilespmem:$0x12800] =	vst v63  }
0x20a: {  	s23 =	simm.s32 $0x10798;
	s21 =	simm.s32 $0x10710;
	s22 =	sadd.s32 $0x20, s8  }
0x20b: {  	[hbm4b:s22+s3] =	stream.linear.scatter [tilespmem:s21], [sflag:$0x4], $0x80, $0x38;
	[tilespmem:$0x12800] =	vst v63  }
0x20c: {  	s24 =	sadd.s32 $0x30, s8;
	s25 =	simm.s32 $0x10820;
	s28 =	simm.s32 $0x108A8  }
0x20d: {  	[hbm4b:s24+s3] =	stream.linear.scatter [tilespmem:s23], [sflag:$0x4], $0x80, $0x38;
	[tilespmem:$0x12800] =	vst v63  }
0x20e: {  	s29 =	sadd.s32 $0x50, s8;
	s30 =	simm.s32 $0x10930;
	s26 =	sadd.s32 $0x40, s8  }
0x20f: {  	[hbm4b:s26+s3] =	stream.linear.scatter [tilespmem:s25], [sflag:$0x4], $0x80, $0x38;
	[tilespmem:$0x12800] =	vst v63  }
0x210: {  	s31 =	sadd.s32 $0x60, s8;
	s0 =	simm.s32 $0x440;
	s1 =	sadd.s32 $0x1000, s8  }
0x211: {  	[hbm4b:s29+s3] =	stream.linear.scatter [tilespmem:s28], [sflag:$0x4], $0x80, $0x38;
	[tilespmem:$0x12800] =	vst v63  }
0x212: {  	s6 =	simm.s32 $0x2200;
	s9 =	simm.s32 $0x109B8;
	s21 =	sadd.s32 $0x70, s8  }
0x213: {  	[hbm4b:s31+s3] =	stream.linear.scatter [tilespmem:s30], [sflag:$0x4], $0x80, $0x38;
	[tilespmem:$0x12800] =	vst v63  }
.LBB2_18:
0x214: {  	[hbm4b:s21+s3] =	stream.linear.scatter [tilespmem:s9], [sflag:$0x4], $0x80, $0x38;
	[tilespmem:$0x12800] =	vst v63  }
0x215: {  	s9 =	smov.u32 s0;
	s0 =	smov.u32 s6  }
0x216: {  	s22 =	sadd.s32 $0x1100, s6;
	s0 =	sshra.s32 s0, $0x2;
	s21 =	sadd.s32 $0x10600, s9  }
0x217: {  	[hbm4b:s1+s3] =	stream.linear.scatter [tilespmem:s21], [sflag:$0x4], $0x80, $0x38;
	[tilespmem:$0x12800] =	vst v63  }
0x218: {  	p0 =	sne.s32 s6, $0x7700;
	s6 =	sadd.s32 $0x10688, s9;
	s21 =	sadd.s32 $0x10, s1  }
0x219: {  	[hbm4b:s21+s3] =	stream.linear.scatter [tilespmem:s6], [sflag:$0x4], $0x80, $0x38;
	[tilespmem:$0x12800] =	vst v63  }
0x21a: {  	s6 =	sadd.s32 $0x10710, s9;
	s21 =	sadd.s32 $0x20, s1  }
0x21b: {  	[hbm4b:s21+s3] =	stream.linear.scatter [tilespmem:s6], [sflag:$0x4], $0x80, $0x38;
	[tilespmem:$0x12800] =	vst v63  }
0x21c: {  	s6 =	sadd.s32 $0x10798, s9;
	s21 =	sadd.s32 $0x30, s1  }
0x21d: {  	[hbm4b:s21+s3] =	stream.linear.scatter [tilespmem:s6], [sflag:$0x4], $0x80, $0x38;
	[tilespmem:$0x12800] =	vst v63  }
0x21e: {  	s6 =	sadd.s32 $0x10820, s9;
	s21 =	sadd.s32 $0x40, s1  }
0x21f: {  	[hbm4b:s21+s3] =	stream.linear.scatter [tilespmem:s6], [sflag:$0x4], $0x80, $0x38;
	[tilespmem:$0x12800] =	vst v63  }
.Ltmp8:
0x220: {  	s6 =	sadd.s32 $0x108A8, s9;
	s21 =	sadd.s32 $0x50, s1;
	(pc) =	sbr.rel @p0 .LBB2_18-.Ltmp8, $4  }
0x221: {  	[hbm4b:s21+s3] =	stream.linear.scatter [tilespmem:s6], [sflag:$0x4], $0x80, $0x38;
	[tilespmem:$0x12800] =	vst v63  }
0x222: {  	s6 =	sadd.s32 $0x10930, s9;
	s21 =	sadd.s32 $0x60, s1;
	s9 =	sadd.s32 $0x109B8, s9  }
0x223: {  	[hbm4b:s21+s3] =	stream.linear.scatter [tilespmem:s6], [sflag:$0x4], $0x80, $0x38;
	[tilespmem:$0x12800] =	vst v63  }
0x224: {  	s21 =	sadd.s32 $0x70, s1;
	s1 =	sadd.s32 $0x1000, s1;
	s6 =	smov.u32 s22  }
0x225: {  	[hbm4b:s21+s3] =	stream.linear.scatter [tilespmem:s9], [sflag:$0x4], $0x80, $0x38;
	[tilespmem:$0x12800] =	vst v63  }
0x226: {  	s6 =	sadd.s32 $0x10600, s0  }
0x227: {  	[hbm4b:s1+s3] =	stream.linear.scatter [tilespmem:s6], [sflag:$0x4], $0x80, $0x38;
	[tilespmem:$0x12800] =	vst v63  }
0x228: {  	s28 =	sadd.s32 $0x10688, s0;
	s29 =	sadd.s32 $0x10, s1  }
0x229: {  	[hbm4b:s29+s3] =	stream.linear.scatter [tilespmem:s28], [sflag:$0x4], $0x80, $0x38;
	[tilespmem:$0x12800] =	vst v63  }
0x22a: {  	s30 =	sadd.s32 $0x10710, s0;
	s31 =	sadd.s32 $0x20, s1  }
0x22b: {  	[hbm4b:s31+s3] =	stream.linear.scatter [tilespmem:s30], [sflag:$0x4], $0x80, $0x38;
	[tilespmem:$0x12800] =	vst v63  }
0x22c: {  	s9 =	sadd.s32 $0x10798, s0;
	s21 =	sadd.s32 $0x30, s1  }
0x22d: {  	[hbm4b:s21+s3] =	stream.linear.scatter [tilespmem:s9], [sflag:$0x4], $0x80, $0x38;
	[tilespmem:$0x12800] =	vst v63  }
0x22e: {  	s22 =	sadd.s32 $0x10820, s0;
	s23 =	sadd.s32 $0x40, s1  }
0x22f: {  	[hbm4b:s23+s3] =	stream.linear.scatter [tilespmem:s22], [sflag:$0x4], $0x80, $0x38;
	[tilespmem:$0x12800] =	vst v63  }
0x230: {  	s24 =	sadd.s32 $0x108A8, s0;
	s25 =	sadd.s32 $0x50, s1  }
0x231: {  	[hbm4b:s25+s3] =	stream.linear.scatter [tilespmem:s24], [sflag:$0x4], $0x80, $0x38;
	[tilespmem:$0x12800] =	vst v63  }
0x232: {  	s26 =	sadd.s32 $0x10930, s0;
	s28 =	sadd.s32 $0x60, s1  }
0x233: {  	[hbm4b:s28+s3] =	stream.linear.scatter [tilespmem:s26], [sflag:$0x4], $0x80, $0x38;
	[tilespmem:$0x12800] =	vst v63  }
0x234: {  	s29 =	sadd.s32 $0x109B8, s0;
	s30 =	sadd.s32 $0x70, s1  }
0x235: {  	[hbm4b:s30+s3] =	stream.linear.scatter [tilespmem:s29], [sflag:$0x4], $0x80, $0x38;
	[tilespmem:$0x12800] =	vst v63  }
0x236: {  	_ =	swait.ge [sflag:s19], $0x2000  }
0x237: {  	s20 =	sadd.s32 $0x1, s20;
	s31 =	rddreg [dreg:$0x5]  }
0x238: {  	p0 =	sne.s32 s20, s31  }
.Ltmp9:
0x239: {  	_ = 	snop;
	(pc) =	sbr.rel @p0 .LBB2_1-.Ltmp9, $3  }
0x23a: {  	_ =	sdelay $0x1  }
0x23b: {  	[sflag:s19] =	ssyncset.done $0x0  }
0x23c: {  	[sflag:s19] =	ssyncadd.s32 $0xFFFFE000  }
0x23d: {  	_ =	sfence.sel $0x180000  }
0x23e: {  	[bflag:$0x0] =	sbarrier.arrive $0xFFFF  }
0x23f: {  	_ =	strace $0x90000047  }
0x240: {  	s0 =	stileid.u32;
	[bflag:$0x2] =	sbarrier.arrive $0xFFFF  }
0x241: {  	p0 =	sne.s32 s0, $0x0;
	s0 =	rddreg [dreg:$0x3]  }
0x242: {  	s0 =	sadd.s32 @!p0 $0x100000, s0  }
0x243: {  	[sflag:s0] =	ssyncadd.tile.s32 @!p0 $0x1;
	_ =	shalt  }
.Lfunc_end2:
_tile_overlayer_lowered:
.L_overlay_start_2:
0x244: {  	(tag) =	ssettag $0x2  }
0x245: {  	s0 =	rddreg [dreg:$0x0];
	s2 =	stileid.u32  }
0x246: {  	s1 =	rddreg [dreg:$0x1];
	p0 =	sne.s32 s2, $0x0  }
0x247: {  	s3 =	rddreg [dreg:$0x2];
	[bflag:$0x3] =	sbarrier.arrive $0xFFFF;
	s2 =	simm.s32 @!p0 $0x1C05  }
0x248: {  	[timem:s3], [sflag:s2] =	dma.local @!p0 [hbm:s0], s1  }
0x249: {  	s0 =	simm.s32 @!p0 $0x5  }
0x24a: {  	_ =	swait.ge @!p0 [sflag:s0], s1  }
0x24b: {  	s1 =	ssub.s32 @!p0 $0x0, s1;
	[sflag:s0] =	ssyncset.done @!p0 $0x0  }
0x24c: {  	[sflag:s0] =	ssyncadd.s32 @!p0 s1  }
0x24d: {  	[bflag:$0x3] =	sbarrier.arrive $0xFFFF  }
0x24e: {  	_ =	shalt  }

</sc_bundles>
